<compile_context>
chip_gen: v7x
topology: tpu7x:2x2x1
jax: 0.10.2.dev20260603
libtpu: 0.0.44.dev20260713+nightly
codegen_flags: <defaults>
</compile_context>

<pallas_src>
import functools

import jax
import jax.numpy as jnp
from jax import lax
from jax.experimental import pallas as pl
from jax.experimental.pallas import tpu as pltpu
from jax.experimental.pallas import tpu_sc as plsc

N = 5724
N_PAD = 5760
D = 8
H = 16
B = 2
E = 183168

NTILES = 32
CS = 128
DEG_CH = 45
CONV_CH = 90
E_PAD = NTILES * DEG_CH * CS
E2_PAD = NTILES * CONV_CH * CS

BQ = 576
NBQ = N_PAD // BQ
BN = 576
NB2 = 2 * N_PAD // BN

KP = 91648
KB = KP // 4



def _sc_mesh():
    return plsc.VectorSubcoreMesh(core_axis_name="c", subcore_axis_name="s")


def _deg_call(dstp, ones, zeros):
    rpt = N_PAD // 16

    @functools.partial(
        pl.kernel,
        mesh=_sc_mesh(),
        out_type=jax.ShapeDtypeStruct((2, N_PAD, 16), jnp.float32),
        scratch_types=[
            pltpu.VMEM((DEG_CH, CS), jnp.int32),
            pltpu.VMEM((CS, 16), jnp.float32),
            pltpu.VMEM_SHARED((N_PAD, 16), jnp.float32),
        ],
        compiler_params=pltpu.CompilerParams(use_tc_tiling_on_sc=False),
    )
    def deg_kernel(dst_hbm, ones_hbm, zeros_hbm, out_hbm, idx_v, ones_v, acc_sh):
        c = lax.axis_index("c")
        s = lax.axis_index("s")
        w = c * 16 + s
        pltpu.sync_copy(zeros_hbm.at[pl.ds(0, rpt)], acc_sh.at[pl.ds(s * rpt, rpt)])
        pltpu.sync_copy(ones_hbm, ones_v)
        pltpu.sync_copy(dst_hbm.at[w], idx_v)
        plsc.subcore_barrier()

        def body(j, carry):
            pltpu.sync_copy(ones_v, acc_sh.at[idx_v.at[j]], add=True)
            return carry

        lax.fori_loop(0, DEG_CH, body, 0)
        plsc.subcore_barrier()
        pltpu.sync_copy(acc_sh.at[pl.ds(s * rpt, rpt)],
                        out_hbm.at[c, pl.ds(s * rpt, rpt)])

    return deg_kernel(dstp, ones, zeros)


def _conv_call(srcp, dstp, table, zeros):
    rpt = 2 * N_PAD // 16

    @functools.partial(
        pl.kernel,
        mesh=_sc_mesh(),
        out_type=jax.ShapeDtypeStruct((2, 2 * N_PAD, 16), jnp.float32),
        scratch_types=[
            pltpu.VMEM((CONV_CH, CS), jnp.int32),
            pltpu.VMEM((CONV_CH, CS), jnp.int32),
            pltpu.VMEM((CS, 16), jnp.float32),
            pltpu.VMEM((CS, 16), jnp.float32),
            pltpu.VMEM((CS, 16), jnp.float32),
            pltpu.VMEM_SHARED((2 * N_PAD, 16), jnp.float32),
            pltpu.SemaphoreType.DMA,
            pltpu.SemaphoreType.DMA,
            pltpu.SemaphoreType.DMA,
        ],
        compiler_params=pltpu.CompilerParams(use_tc_tiling_on_sc=False),
    )
    def conv_kernel(src_hbm, dst_hbm, table_hbm, zeros_hbm, out_hbm,
                    src_v, dst_v, rows0, rows1, rows2, acc_sh,
                    sem0, sem1, sem2):
        c = lax.axis_index("c")
        s = lax.axis_index("s")
        w = c * 16 + s
        pltpu.sync_copy(zeros_hbm, acc_sh.at[pl.ds(s * rpt, rpt)])
        pltpu.sync_copy(src_hbm.at[w], src_v)
        pltpu.sync_copy(dst_hbm.at[w], dst_v)
        plsc.subcore_barrier()

        def body(jj, carry):
            j = jj * 3
            h0 = pltpu.async_copy(table_hbm.at[src_v.at[j]], rows0, sem0)
            h1 = pltpu.async_copy(table_hbm.at[src_v.at[j + 1]], rows1, sem1)
            h2 = pltpu.async_copy(table_hbm.at[src_v.at[j + 2]], rows2, sem2)
            h0.wait()
            pltpu.sync_copy(rows0, acc_sh.at[dst_v.at[j]], add=True)
            h1.wait()
            pltpu.sync_copy(rows1, acc_sh.at[dst_v.at[j + 1]], add=True)
            h2.wait()
            pltpu.sync_copy(rows2, acc_sh.at[dst_v.at[j + 2]], add=True)
            return carry

        lax.fori_loop(0, CONV_CH // 3, body, 0)
        plsc.subcore_barrier()
        pltpu.sync_copy(acc_sh.at[pl.ds(s * rpt, rpt)],
                        out_hbm.at[c, pl.ds(s * rpt, rpt)])

    return conv_kernel(srcp, dstp, table, zeros)



def _ln(x, g, b, eps=1e-5):
    mu = jnp.mean(x, axis=-1, keepdims=True)
    var = jnp.mean((x - mu) ** 2, axis=-1, keepdims=True)
    return (x - mu) * lax.rsqrt(var + eps) * g + b


def _dinv_from(degp):
    deg = degp[0, :, 0:1] + degp[1, :, 0:1] + 1.0
    return lax.rsqrt(deg)


def _enc_body(xq_ref, xf_ref, degp_ref, lin_w, lin_b, wq, bq, wk, bk, wv, bv,
              wo, bo, g1, be1, w1, b1, w2, b2, g2, be2, c1w, out_ref):
    xq = xq_ref[0]
    xf = xf_ref[0]
    v2v_q = xq * lin_w[...] + lin_b[...]
    v2v = xf * lin_w[...] + lin_b[...]
    q = (v2v_q @ wq[...] + bq[...]) * (1.0 / jnp.sqrt(jnp.float32(D)))
    k = v2v @ wk[...] + bk[...]
    v = v2v @ wv[...] + bv[...]
    s = lax.dot_general(q, k, (((1,), (1,)), ((), ())),
                        preferred_element_type=jnp.float32)
    col = lax.broadcasted_iota(jnp.int32, s.shape, 1)
    e = jnp.exp(jnp.where(col < N, s, -1e30))
    r = 1.0 / jnp.sum(e, axis=-1, keepdims=True)
    o = (jnp.dot(e, v, preferred_element_type=jnp.float32) * r) @ wo[...] + bo[...]
    x1 = _ln(v2v_q + o, g1[...], be1[...])
    f = jnp.maximum(x1 @ w1[...] + b1[...], 0.0) @ w2[...] + b2[...]
    h = _ln(x1 + f, g2[...], be2[...])
    dinv = _dinv_from(degp_ref[...])
    out_ref[...] = dinv * (h @ c1w[...])


def _post1_body(aggp_ref, t1_ref, degp_ref, b1, c2w, out_ref):
    agg = aggp_ref[0] + aggp_ref[1]
    dinv = _dinv_from(degp_ref[...])
    c1 = dinv * (agg + t1_ref[...]) + b1[...]
    g = jnp.maximum(c1, 0.0)
    out_ref[...] = dinv * (g @ c2w[...])


def _post2_body(aggp_ref, t2_ref, degp_ref, b2, out_ref):
    agg = aggp_ref[0] + aggp_ref[1]
    dinv = _dinv_from(degp_ref[...])
    out_ref[...] = dinv * (agg + t2_ref[...]) + b2[...]


def _fc_body(f_ref, w_ref, b_ref, out_ref):
    @pl.when(pl.program_id(0) == 0)
    def _():
        out_ref[...] = jnp.broadcast_to(b_ref[...], (B, 32))

    out_ref[...] += jnp.dot(f_ref[...], w_ref[...],
                            preferred_element_type=jnp.float32)


def _full(shape):
    return pl.BlockSpec(shape, lambda *_: tuple(0 for _ in shape))


def _enc_call(x_pad, deg_parts, lin_w, lin_b, wq, bq, wk, bk, wv, bv, wo, bo,
              g1, be1, w1, b1, w2, b2, g2, be2, c1w):
    wspecs = [_full(a.shape) for a in
              (lin_w, lin_b, wq, bq, wk, bk, wv, bv, wo, bo,
               g1, be1, w1, b1, w2, b2, g2, be2, c1w)]
    return pl.pallas_call(
        _enc_body,
        grid=(B, NBQ),
        in_specs=[
            pl.BlockSpec((1, BQ, 1), lambda b, i: (b, i, 0)),
            pl.BlockSpec((1, N_PAD, 1), lambda b, i: (b, 0, 0)),
            pl.BlockSpec((2, BQ, 16), lambda b, i: (0, i, 0)),
        ] + wspecs,
        out_specs=pl.BlockSpec((BQ, 16), lambda b, i: (b * NBQ + i, 0)),
        out_shape=jax.ShapeDtypeStruct((2 * N_PAD, 16), jnp.float32),
    )(x_pad, x_pad, deg_parts, lin_w, lin_b, wq, bq, wk, bk, wv, bv, wo, bo,
      g1, be1, w1, b1, w2, b2, g2, be2, c1w)


def _post1_call(agg_parts, table1, deg_parts, b1, c2w):
    return pl.pallas_call(
        _post1_body,
        grid=(NB2,),
        in_specs=[
            pl.BlockSpec((2, BN, 16), lambda g: (0, g, 0)),
            pl.BlockSpec((BN, 16), lambda g: (g, 0)),
            pl.BlockSpec((2, BN, 16), lambda g: (0, g % NBQ, 0)),
            _full(b1.shape),
            _full(c2w.shape),
        ],
        out_specs=pl.BlockSpec((BN, 16), lambda g: (g, 0)),
        out_shape=jax.ShapeDtypeStruct((2 * N_PAD, 16), jnp.float32),
    )(agg_parts, table1, deg_parts, b1, c2w)


def _post2_call(agg_parts, table2, deg_parts, b2):
    return pl.pallas_call(
        _post2_body,
        grid=(NB2,),
        in_specs=[
            pl.BlockSpec((2, BN, 16), lambda g: (0, g, 0)),
            pl.BlockSpec((BN, 16), lambda g: (g, 0)),
            pl.BlockSpec((2, BN, 16), lambda g: (0, g % NBQ, 0)),
            _full(b2.shape),
        ],
        out_specs=pl.BlockSpec((BN, 16), lambda g: (g, 0)),
        out_shape=jax.ShapeDtypeStruct((2 * N_PAD, 16), jnp.float32),
    )(agg_parts, table2, deg_parts, b2)


def _fc_call(feats_p, fw_p, fb):
    return pl.pallas_call(
        _fc_body,
        grid=(KP // KB,),
        in_specs=[
            pl.BlockSpec((B, KB), lambda k: (0, k)),
            pl.BlockSpec((KB, 32), lambda k: (k, 0)),
            _full(fb.shape),
        ],
        out_specs=pl.BlockSpec((B, 32), lambda k: (0, 0)),
        out_shape=jax.ShapeDtypeStruct((B, 32), jnp.float32),
    )(feats_p, fw_p, fb)



def kernel(x, edge_index, lin_w, lin_b, enc_wq, enc_bq, enc_wk, enc_bk,
           enc_wv, enc_bv, enc_wo, enc_bo, enc_g1, enc_be1, enc_w1, enc_b1,
           enc_w2, enc_b2, enc_g2, enc_be2, conv1_w, conv1_b, conv2_w,
           conv2_b, fc_w, fc_b):
    i32 = jnp.int32
    f32 = jnp.float32
    src = edge_index[0]
    dst = edge_index[1]

    dstp = jnp.concatenate(
        [dst, jnp.full((E_PAD - E,), N_PAD - 1, i32)]).reshape(NTILES, DEG_CH, CS)
    src2 = jnp.concatenate(
        [src, src + N_PAD, jnp.zeros((E2_PAD - 2 * E,), i32)]
    ).reshape(NTILES, CONV_CH, CS)
    dst2 = jnp.concatenate(
        [dst, dst + N_PAD, jnp.full((E2_PAD - 2 * E,), 2 * N_PAD - 1, i32)]
    ).reshape(NTILES, CONV_CH, CS)

    ones = jnp.ones((CS, 16), f32)
    zeros = jnp.zeros((2 * N_PAD // 16, 16), f32)

    deg_parts = _deg_call(dstp, ones, zeros)

    x_pad = jnp.pad(x, ((0, 0), (0, N_PAD - N), (0, 0)))
    li = 3
    table1 = _enc_call(
        x_pad, deg_parts, lin_w, lin_b.reshape(1, D),
        enc_wq[li], enc_bq[li].reshape(1, D), enc_wk[li], enc_bk[li].reshape(1, D),
        enc_wv[li], enc_bv[li].reshape(1, D), enc_wo[li], enc_bo[li].reshape(1, D),
        enc_g1[li].reshape(1, D), enc_be1[li].reshape(1, D),
        enc_w1[li], enc_b1[li].reshape(1, D), enc_w2[li], enc_b2[li].reshape(1, D),
        enc_g2[li].reshape(1, D), enc_be2[li].reshape(1, D), conv1_w)

    agg1 = _conv_call(src2, dst2, table1, zeros)
    table2 = _post1_call(agg1, table1, deg_parts, conv1_b.reshape(1, H), conv2_w)
    agg2 = _conv_call(src2, dst2, table2, zeros)
    conv2out = _post2_call(agg2, table2, deg_parts, conv2_b.reshape(1, H))

    f0 = conv2out[0:N].reshape(-1)
    f1 = conv2out[N_PAD:N_PAD + N].reshape(-1)
    feats = jnp.stack([f0, f1])
    feats_p = jnp.pad(feats, ((0, 0), (0, KP - N * H)))
    fw_p = jnp.pad(fc_w, ((0, KP - N * H), (0, 0)))
    return _fc_call(feats_p, fw_p, fc_b.reshape(1, 32))

# --- scband reference (transcript-rebuilt; emitter-appended) ---
"""Pipeline reference for scband-gcn-encoder-29059748724761 (READ-ONLY COPY).

The authoritative reference and input builder live on the scoring server;
editing this copy changes nothing except your own understanding.
"""

import jax, jax.numpy as jnp
import numpy as np

N_NODES = 5724
D_IN = 8
HIDDEN = 16
N_LAYERS = 4


def setup_inputs(seed: int = 0):
    key = jax.random.key(seed)
    ks = jax.random.split(key, 24)
    B = 2
    E = 183168
    s = 0.1
    inp = {}
    inp['x'] = jax.random.normal(ks[0], (B, N_NODES, 1), dtype=jnp.float32)
    inp['edge_index'] = jax.random.randint(ks[1], (2, E), 0, N_NODES, dtype=jnp.int32)
    # Encoder.linear = nn.Linear(1, 8)
    inp['lin_w'] = jax.random.normal(ks[2], (1, D_IN), dtype=jnp.float32) * s
    inp['lin_b'] = jnp.zeros((D_IN,), dtype=jnp.float32)
    # 4 EncoderLayers (d_model=8, ffn_hidden=8, n_head=1), params stacked on leading dim
    inp['enc_wq'] = jax.random.normal(ks[3], (N_LAYERS, D_IN, D_IN), dtype=jnp.float32) * s
    inp['enc_bq'] = jnp.zeros((N_LAYERS, D_IN), dtype=jnp.float32)
    inp['enc_wk'] = jax.random.normal(ks[4], (N_LAYERS, D_IN, D_IN), dtype=jnp.float32) * s
    inp['enc_bk'] = jnp.zeros((N_LAYERS, D_IN), dtype=jnp.float32)
    inp['enc_wv'] = jax.random.normal(ks[5], (N_LAYERS, D_IN, D_IN), dtype=jnp.float32) * s
    inp['enc_bv'] = jnp.zeros((N_LAYERS, D_IN), dtype=jnp.float32)
    inp['enc_wo'] = jax.random.normal(ks[6], (N_LAYERS, D_IN, D_IN), dtype=jnp.float32) * s
    inp['enc_bo'] = jnp.zeros((N_LAYERS, D_IN), dtype=jnp.float32)
    inp['enc_g1'] = jnp.ones((N_LAYERS, D_IN), dtype=jnp.float32)
    inp['enc_be1'] = jnp.zeros((N_LAYERS, D_IN), dtype=jnp.float32)
    inp['enc_w1'] = jax.random.normal(ks[7], (N_LAYERS, D_IN, D_IN), dtype=jnp.float32) * s
    inp['enc_b1'] = jnp.zeros((N_LAYERS, D_IN), dtype=jnp.float32)
    inp['enc_w2'] = jax.random.normal(ks[8], (N_LAYERS, D_IN, D_IN), dtype=jnp.float32) * s
    inp['enc_b2'] = jnp.zeros((N_LAYERS, D_IN), dtype=jnp.float32)
    inp['enc_g2'] = jnp.ones((N_LAYERS, D_IN), dtype=jnp.float32)
    inp['enc_be2'] = jnp.zeros((N_LAYERS, D_IN), dtype=jnp.float32)
    # GCNConv weights
    inp['conv1_w'] = jax.random.normal(ks[9], (D_IN, HIDDEN), dtype=jnp.float32) * s
    inp['conv1_b'] = jnp.zeros((HIDDEN,), dtype=jnp.float32)
    inp['conv2_w'] = jax.random.normal(ks[10], (HIDDEN, HIDDEN), dtype=jnp.float32) * s
    inp['conv2_b'] = jnp.zeros((HIDDEN,), dtype=jnp.float32)
    # fc = Linear(5724*hidden, 32)
    inp['fc_w'] = jax.random.normal(ks[11], (N_NODES * HIDDEN, 32), dtype=jnp.float32) * 0.01
    inp['fc_b'] = jnp.zeros((32,), dtype=jnp.float32)
    return inp


def _layernorm(x, g, b, eps=1e-5):
    mu = jnp.mean(x, axis=-1, keepdims=True)
    var = jnp.mean((x - mu) ** 2, axis=-1, keepdims=True)
    return (x - mu) / jnp.sqrt(var + eps) * g + b


def _encoder_layer(x, wq, bq, wk, bk, wv, bv, wo, bo, g1, be1, w1, b1, w2, b2, g2, be2):
    q = x @ wq + bq
    k = x @ wk + bk
    v = x @ wv + bv
    scores = jnp.einsum('bnd,bmd->bnm', q, k) / jnp.sqrt(jnp.float32(x.shape[-1]))
    attn = jax.nn.softmax(scores, axis=-1)
    o = jnp.einsum('bnm,bmd->bnd', attn, v) @ wo + bo
    x = _layernorm(x + o, g1, be1)
    f = jax.nn.relu(x @ w1 + b1) @ w2 + b2
    return _layernorm(x + f, g2, be2)


def _gcn_conv(x, src, dst, norm, W, b, n):
    # x: [B, N, Fin] -> [B, N, Fout]; symmetric-normalized scatter-add aggregation (PyG GCNConv)
    h = x @ W
    msg = h[:, src, :] * norm[None, :, None]
    agg = jax.ops.segment_sum(jnp.transpose(msg, (1, 0, 2)), dst, num_segments=n)
    return jnp.transpose(agg, (1, 0, 2)) + b


def reference(x, edge_index, lin_w, lin_b, enc_wq, enc_bq, enc_wk, enc_bk, enc_wv, enc_bv, enc_wo, enc_bo, enc_g1, enc_be1, enc_w1, enc_b1, enc_w2, enc_b2, enc_g2, enc_be2, conv1_w, conv1_b, conv2_w, conv2_b, fc_w, fc_b):
    B = x.shape[0]
    value2vector = x @ lin_w + lin_b
    h = value2vector
    for i in range(N_LAYERS):
        # faithful to Encoder.forward: every layer consumes value2vector
        h = _encoder_layer(value2vector, enc_wq[i], enc_bq[i], enc_wk[i], enc_bk[i], enc_wv[i], enc_bv[i], enc_wo[i], enc_bo[i], enc_g1[i], enc_be1[i], enc_w1[i], enc_b1[i], enc_w2[i], enc_b2[i], enc_g2[i], enc_be2[i])
    loop = jnp.arange(N_NODES, dtype=edge_index.dtype)
    src = jnp.concatenate([edge_index[0], loop])
    dst = jnp.concatenate([edge_index[1], loop])
    deg = jnp.zeros((N_NODES,), jnp.float32).at[dst].add(1.0)
    dinv = jnp.where(deg > 0, 1.0 / jnp.sqrt(deg), 0.0)
    norm = dinv[src] * dinv[dst]
    g = _gcn_conv(h, src, dst, norm, conv1_w, conv1_b, N_NODES)
    g = jax.nn.relu(g)
    g = _gcn_conv(g, src, dst, norm, conv2_w, conv2_b, N_NODES)
    feats = g.reshape(B, -1)
    return feats @ fc_w + fc_b

if __name__ == "__main__":
    import jax
    _d = setup_inputs()
    print(jax.jit(kernel)(*tuple(_d.values())))

</pallas_src>

<mosaic_0001>
#map = affine_map<(d0, d1) -> (0, 0, 0)>
#map1 = affine_map<(d0, d1) -> (0, 0)>
module attributes {stable_mosaic.version = 14 : i64} {
  func.func @deg_kernel(%arg0: i32, %arg1: i32, %arg2: memref<32x45x128xi32, #tpu.memory_space<hbm>>, %arg3: memref<128x16xf32, #tpu.memory_space<hbm>>, %arg4: memref<720x16xf32, #tpu.memory_space<hbm>>, %arg5: memref<2x5760x16xf32, #tpu.memory_space<hbm>>, %arg6: memref<45x128xi32, #tpu.memory_space<vmem>>, %arg7: memref<128x16xf32, #tpu.memory_space<vmem>>, %arg8: memref<5760x16xf32, #tpu.memory_space<vmem_shared>>) attributes {dimension_semantics = [#tpu.dimension_semantics<core_parallel>, #tpu.dimension_semantics<subcore_parallel>], iteration_bounds = array<i64: 2, 16>, scalar_prefetch = 0 : i64, scratch_operands = 3 : i64, tpu.core_type = #tpu.core_type<sc_vector_subcore>, window_params = [{transform_indices = #map}, {transform_indices = #map1}, {transform_indices = #map1}, {transform_indices = #map}]} {
    %mul3A = arith.constant 16 : i32
    %mul3A_0 = arith.muli %arg0, %mul3A : i32
    %add3A = arith.addi %mul3A_0, %arg1 : i32
    %mul3A_1 = arith.constant 360 : i32
    %mul3A_2 = arith.muli %arg1, %mul3A_1 : i32
    "tpu.region"() ({
      %run_scoped3A = tpu.sem_alloc : memref<!tpu.dma_semaphore, #tpu.memory_space<semaphore_mem>>
      %dma_start3A = arith.constant 0 : i32
      %dma_start3A_13 = tpu.memref_slice %arg8[%mul3A_2, %dma_start3A] : memref<5760x16xf32, #tpu.memory_space<vmem_shared>> -> memref<360x16xf32, #tpu.memory_space<vmem_shared>>
      %dma_start3A_14 = arith.constant 0 : i32
      %dma_start3A_15 = arith.constant 0 : i32
      %dma_start3A_16 = tpu.memref_slice %arg4[%dma_start3A_14, %dma_start3A_15] : memref<720x16xf32, #tpu.memory_space<hbm>> -> memref<360x16xf32, #tpu.memory_space<hbm>>
      tpu.enqueue_dma source(%dma_start3A_16 : memref<360x16xf32, #tpu.memory_space<hbm>>) target(%dma_start3A_13 : memref<360x16xf32, #tpu.memory_space<vmem_shared>>) target_semaphore(%run_scoped3A : memref<!tpu.dma_semaphore, #tpu.memory_space<semaphore_mem>>)
      %dma_wait3A = arith.constant 0 : i32
      %dma_wait3A_17 = tpu.memref_slice %arg8[%mul3A_2, %dma_wait3A] : memref<5760x16xf32, #tpu.memory_space<vmem_shared>> -> memref<360x16xf32, #tpu.memory_space<vmem_shared>>
      %dma_wait3A_18 = arith.constant 0 : i32
      %dma_wait3A_19 = arith.constant 0 : i32
      %dma_wait3A_20 = tpu.memref_slice %arg4[%dma_wait3A_18, %dma_wait3A_19] : memref<720x16xf32, #tpu.memory_space<hbm>> -> memref<360x16xf32, #tpu.memory_space<hbm>>
      tpu.wait_dma2 semaphore(%run_scoped3A : memref<!tpu.dma_semaphore, #tpu.memory_space<semaphore_mem>>) src(%dma_wait3A_20 : memref<360x16xf32, #tpu.memory_space<hbm>>) dst(%dma_wait3A_17 : memref<360x16xf32, #tpu.memory_space<vmem_shared>>)
      tpu.yield
    }) : () -> ()
    "tpu.region"() ({
      %run_scoped3A = tpu.sem_alloc : memref<!tpu.dma_semaphore, #tpu.memory_space<semaphore_mem>>
      tpu.enqueue_dma source(%arg3 : memref<128x16xf32, #tpu.memory_space<hbm>>) target(%arg7 : memref<128x16xf32, #tpu.memory_space<vmem>>) target_semaphore(%run_scoped3A : memref<!tpu.dma_semaphore, #tpu.memory_space<semaphore_mem>>)
      tpu.wait_dma2 semaphore(%run_scoped3A : memref<!tpu.dma_semaphore, #tpu.memory_space<semaphore_mem>>) src(%arg3 : memref<128x16xf32, #tpu.memory_space<hbm>>) dst(%arg7 : memref<128x16xf32, #tpu.memory_space<vmem>>)
      tpu.yield
    }) : () -> ()
    "tpu.region"() ({
      %run_scoped3A = tpu.sem_alloc : memref<!tpu.dma_semaphore, #tpu.memory_space<semaphore_mem>>
      %dma_start3A = arith.constant 0 : i32
      %dma_start3A_13 = arith.constant 0 : i32
      %dma_start3A_14 = tpu.memref_slice %arg2[%add3A, %dma_start3A, %dma_start3A_13] : memref<32x45x128xi32, #tpu.memory_space<hbm>> -> memref<1x45x128xi32, #tpu.memory_space<hbm>>
      %dma_start3A_15 = tpu.memref_squeeze %dma_start3A_14 : memref<1x45x128xi32, #tpu.memory_space<hbm>> -> memref<45x128xi32, #tpu.memory_space<hbm>>
      %dma_start3A_16 = arith.constant 0 : i32
      %dma_start3A_17 = arith.constant 0 : i32
      %dma_start3A_18 = tpu.memref_slice %arg2[%add3A, %dma_start3A_16, %dma_start3A_17] : memref<32x45x128xi32, #tpu.memory_space<hbm>> -> memref<1x45x128xi32, #tpu.memory_space<hbm>>
      %dma_start3A_19 = tpu.memref_squeeze %dma_start3A_18 : memref<1x45x128xi32, #tpu.memory_space<hbm>> -> memref<45x128xi32, #tpu.memory_space<hbm>>
      tpu.enqueue_dma source(%dma_start3A_19 : memref<45x128xi32, #tpu.memory_space<hbm>>) target(%arg6 : memref<45x128xi32, #tpu.memory_space<vmem>>) target_semaphore(%run_scoped3A : memref<!tpu.dma_semaphore, #tpu.memory_space<semaphore_mem>>)
      %dma_wait3A = arith.constant 0 : i32
      %dma_wait3A_20 = arith.constant 0 : i32
      %dma_wait3A_21 = tpu.memref_slice %arg2[%add3A, %dma_wait3A, %dma_wait3A_20] : memref<32x45x128xi32, #tpu.memory_space<hbm>> -> memref<1x45x128xi32, #tpu.memory_space<hbm>>
      %dma_wait3A_22 = tpu.memref_squeeze %dma_wait3A_21 : memref<1x45x128xi32, #tpu.memory_space<hbm>> -> memref<45x128xi32, #tpu.memory_space<hbm>>
      %dma_wait3A_23 = arith.constant 0 : i32
      %dma_wait3A_24 = arith.constant 0 : i32
      %dma_wait3A_25 = tpu.memref_slice %arg2[%add3A, %dma_wait3A_23, %dma_wait3A_24] : memref<32x45x128xi32, #tpu.memory_space<hbm>> -> memref<1x45x128xi32, #tpu.memory_space<hbm>>
      %dma_wait3A_26 = tpu.memref_squeeze %dma_wait3A_25 : memref<1x45x128xi32, #tpu.memory_space<hbm>> -> memref<45x128xi32, #tpu.memory_space<hbm>>
      tpu.wait_dma2 semaphore(%run_scoped3A : memref<!tpu.dma_semaphore, #tpu.memory_space<semaphore_mem>>) src(%dma_wait3A_26 : memref<45x128xi32, #tpu.memory_space<hbm>>) dst(%arg6 : memref<45x128xi32, #tpu.memory_space<vmem>>)
      tpu.yield
    }) : () -> ()
    %barrier3A = arith.constant 0 : index
    tpu.barrier barrier_id(%barrier3A)
    %scan3A = arith.constant 0 : i32
    %scan3A_3 = arith.constant 0 : i32
    %scan3A_4 = arith.constant 45 : i32
    %scan3A_5 = arith.addi %scan3A_3, %scan3A_4 : i32
    %scan3A_6 = arith.constant 1 : i32
    scf.for %scan3A_13 = %scan3A_3 to %scan3A_5 step %scan3A_6  : i32 {
      "tpu.region"() ({
        %run_scoped3A = tpu.sem_alloc : memref<!tpu.dma_semaphore, #tpu.memory_space<semaphore_mem>>
        %dma_start3A = arith.constant 0 : i32
        %dma_start3A_14 = tpu.memref_slice %arg6[%scan3A_13, %dma_start3A] : memref<45x128xi32, #tpu.memory_space<vmem>> -> memref<1x128xi32, #tpu.memory_space<vmem>>
        %dma_start3A_15 = tpu.memref_squeeze %dma_start3A_14 : memref<1x128xi32, #tpu.memory_space<vmem>> -> memref<128xi32, #tpu.memory_space<vmem>>
        %dma_start3A_16 = arith.constant 0 : i32
        %dma_start3A_17 = arith.constant 0 : i32
        %dma_start3A_18 = tpu.memref_slice %arg8[%dma_start3A_16, %dma_start3A_17] : memref<5760x16xf32, #tpu.memory_space<vmem_shared>> -> memref<5760x16xf32, #tpu.memory_space<vmem_shared>>
        tpu.enqueue_indirect_dma source(%arg7 : memref<128x16xf32, #tpu.memory_space<vmem>>) target(%dma_start3A_18 : memref<5760x16xf32, #tpu.memory_space<vmem_shared>>) offsets(%dma_start3A_15 : memref<128xi32, #tpu.memory_space<vmem>>) semaphore(%run_scoped3A : memref<!tpu.dma_semaphore, #tpu.memory_space<semaphore_mem>>) {add = true}
        %dma_wait3A = arith.constant 0 : i32
        %dma_wait3A_19 = tpu.memref_slice %arg6[%scan3A_13, %dma_wait3A] : memref<45x128xi32, #tpu.memory_space<vmem>> -> memref<1x128xi32, #tpu.memory_space<vmem>>
        %dma_wait3A_20 = tpu.memref_squeeze %dma_wait3A_19 : memref<1x128xi32, #tpu.memory_space<vmem>> -> memref<128xi32, #tpu.memory_space<vmem>>
        %dma_wait3A_21 = arith.constant 0 : i32
        %dma_wait3A_22 = arith.constant 0 : i32
        %dma_wait3A_23 = tpu.memref_slice %arg8[%dma_wait3A_21, %dma_wait3A_22] : memref<5760x16xf32, #tpu.memory_space<vmem_shared>> -> memref<5760x16xf32, #tpu.memory_space<vmem_shared>>
        tpu.wait_indirect_dma semaphore(%run_scoped3A : memref<!tpu.dma_semaphore, #tpu.memory_space<semaphore_mem>>) src(%arg7 : memref<128x16xf32, #tpu.memory_space<vmem>>) dst(%dma_wait3A_23 : memref<5760x16xf32, #tpu.memory_space<vmem_shared>>)
        tpu.yield
      }) : () -> ()
    }
    %scan3A_7 = arith.constant 45 : i32
    %barrier3A_8 = arith.constant 0 : index
    tpu.barrier barrier_id(%barrier3A_8)
    %mul3A_9 = arith.constant 360 : i32
    %mul3A_10 = arith.muli %arg1, %mul3A_9 : i32
    %mul3A_11 = arith.constant 360 : i32
    %mul3A_12 = arith.muli %arg1, %mul3A_11 : i32
    "tpu.region"() ({
      %run_scoped3A = tpu.sem_alloc : memref<!tpu.dma_semaphore, #tpu.memory_space<semaphore_mem>>
      %dma_start3A = arith.constant 0 : i32
      %dma_start3A_13 = tpu.memref_slice %arg5[%arg0, %mul3A_12, %dma_start3A] : memref<2x5760x16xf32, #tpu.memory_space<hbm>> -> memref<1x360x16xf32, #tpu.memory_space<hbm>>
      %dma_start3A_14 = tpu.memref_squeeze %dma_start3A_13 : memref<1x360x16xf32, #tpu.memory_space<hbm>> -> memref<360x16xf32, #tpu.memory_space<hbm>>
      %dma_start3A_15 = arith.constant 0 : i32
      %dma_start3A_16 = tpu.memref_slice %arg8[%mul3A_10, %dma_start3A_15] : memref<5760x16xf32, #tpu.memory_space<vmem_shared>> -> memref<360x16xf32, #tpu.memory_space<vmem_shared>>
      tpu.enqueue_dma source(%dma_start3A_16 : memref<360x16xf32, #tpu.memory_space<vmem_shared>>) target(%dma_start3A_14 : memref<360x16xf32, #tpu.memory_space<hbm>>) target_semaphore(%run_scoped3A : memref<!tpu.dma_semaphore, #tpu.memory_space<semaphore_mem>>)
      %dma_wait3A = arith.constant 0 : i32
      %dma_wait3A_17 = tpu.memref_slice %arg5[%arg0, %mul3A_12, %dma_wait3A] : memref<2x5760x16xf32, #tpu.memory_space<hbm>> -> memref<1x360x16xf32, #tpu.memory_space<hbm>>
      %dma_wait3A_18 = tpu.memref_squeeze %dma_wait3A_17 : memref<1x360x16xf32, #tpu.memory_space<hbm>> -> memref<360x16xf32, #tpu.memory_space<hbm>>
      %dma_wait3A_19 = arith.constant 0 : i32
      %dma_wait3A_20 = tpu.memref_slice %arg8[%mul3A_10, %dma_wait3A_19] : memref<5760x16xf32, #tpu.memory_space<vmem_shared>> -> memref<360x16xf32, #tpu.memory_space<vmem_shared>>
      tpu.wait_dma2 semaphore(%run_scoped3A : memref<!tpu.dma_semaphore, #tpu.memory_space<semaphore_mem>>) src(%dma_wait3A_20 : memref<360x16xf32, #tpu.memory_space<vmem_shared>>) dst(%dma_wait3A_18 : memref<360x16xf32, #tpu.memory_space<hbm>>)
      tpu.yield
    }) : () -> ()
    return
  }
}

#map = affine_map<(d0, d1) -> (0, 0, 0)>
#map1 = affine_map<(d0, d1) -> (0, 0)>
module attributes {stable_mosaic.version = 14 : i64} {
  func.func @conv_kernel(%arg0: i32, %arg1: i32, %arg2: memref<32x90x128xi32, #tpu.memory_space<hbm>>, %arg3: memref<32x90x128xi32, #tpu.memory_space<hbm>>, %arg4: memref<11520x16xf32, #tpu.memory_space<hbm>>, %arg5: memref<720x16xf32, #tpu.memory_space<hbm>>, %arg6: memref<2x11520x16xf32, #tpu.memory_space<hbm>>, %arg7: memref<90x128xi32, #tpu.memory_space<vmem>>, %arg8: memref<90x128xi32, #tpu.memory_space<vmem>>, %arg9: memref<128x16xf32, #tpu.memory_space<vmem>>, %arg10: memref<128x16xf32, #tpu.memory_space<vmem>>, %arg11: memref<128x16xf32, #tpu.memory_space<vmem>>, %arg12: memref<11520x16xf32, #tpu.memory_space<vmem_shared>>, %arg13: memref<!tpu.dma_semaphore, #tpu.memory_space<semaphore_mem>>, %arg14: memref<!tpu.dma_semaphore, #tpu.memory_space<semaphore_mem>>, %arg15: memref<!tpu.dma_semaphore, #tpu.memory_space<semaphore_mem>>) attributes {dimension_semantics = [#tpu.dimension_semantics<core_parallel>, #tpu.dimension_semantics<subcore_parallel>], iteration_bounds = array<i64: 2, 16>, scalar_prefetch = 0 : i64, scratch_operands = 9 : i64, tpu.core_type = #tpu.core_type<sc_vector_subcore>, window_params = [{transform_indices = #map}, {transform_indices = #map}, {transform_indices = #map1}, {transform_indices = #map1}, {transform_indices = #map}]} {
    %mul3A = arith.constant 16 : i32
    %mul3A_0 = arith.muli %arg0, %mul3A : i32
    %add3A = arith.addi %mul3A_0, %arg1 : i32
    %mul3A_1 = arith.constant 720 : i32
    %mul3A_2 = arith.muli %arg1, %mul3A_1 : i32
    "tpu.region"() ({
      %run_scoped3A = tpu.sem_alloc : memref<!tpu.dma_semaphore, #tpu.memory_space<semaphore_mem>>
      %dma_start3A = arith.constant 0 : i32
      %dma_start3A_13 = tpu.memref_slice %arg12[%mul3A_2, %dma_start3A] : memref<11520x16xf32, #tpu.memory_space<vmem_shared>> -> memref<720x16xf32, #tpu.memory_space<vmem_shared>>
      tpu.enqueue_dma source(%arg5 : memref<720x16xf32, #tpu.memory_space<hbm>>) target(%dma_start3A_13 : memref<720x16xf32, #tpu.memory_space<vmem_shared>>) target_semaphore(%run_scoped3A : memref<!tpu.dma_semaphore, #tpu.memory_space<semaphore_mem>>)
      %dma_wait3A = arith.constant 0 : i32
      %dma_wait3A_14 = tpu.memref_slice %arg12[%mul3A_2, %dma_wait3A] : memref<11520x16xf32, #tpu.memory_space<vmem_shared>> -> memref<720x16xf32, #tpu.memory_space<vmem_shared>>
      tpu.wait_dma2 semaphore(%run_scoped3A : memref<!tpu.dma_semaphore, #tpu.memory_space<semaphore_mem>>) src(%arg5 : memref<720x16xf32, #tpu.memory_space<hbm>>) dst(%dma_wait3A_14 : memref<720x16xf32, #tpu.memory_space<vmem_shared>>)
      tpu.yield
    }) : () -> ()
    "tpu.region"() ({
      %run_scoped3A = tpu.sem_alloc : memref<!tpu.dma_semaphore, #tpu.memory_space<semaphore_mem>>
      %dma_start3A = arith.constant 0 : i32
      %dma_start3A_13 = arith.constant 0 : i32
      %dma_start3A_14 = tpu.memref_slice %arg2[%add3A, %dma_start3A, %dma_start3A_13] : memref<32x90x128xi32, #tpu.memory_space<hbm>> -> memref<1x90x128xi32, #tpu.memory_space<hbm>>
      %dma_start3A_15 = tpu.memref_squeeze %dma_start3A_14 : memref<1x90x128xi32, #tpu.memory_space<hbm>> -> memref<90x128xi32, #tpu.memory_space<hbm>>
      %dma_start3A_16 = arith.constant 0 : i32
      %dma_start3A_17 = arith.constant 0 : i32
      %dma_start3A_18 = tpu.memref_slice %arg2[%add3A, %dma_start3A_16, %dma_start3A_17] : memref<32x90x128xi32, #tpu.memory_space<hbm>> -> memref<1x90x128xi32, #tpu.memory_space<hbm>>
      %dma_start3A_19 = tpu.memref_squeeze %dma_start3A_18 : memref<1x90x128xi32, #tpu.memory_space<hbm>> -> memref<90x128xi32, #tpu.memory_space<hbm>>
      tpu.enqueue_dma source(%dma_start3A_19 : memref<90x128xi32, #tpu.memory_space<hbm>>) target(%arg7 : memref<90x128xi32, #tpu.memory_space<vmem>>) target_semaphore(%run_scoped3A : memref<!tpu.dma_semaphore, #tpu.memory_space<semaphore_mem>>)
      %dma_wait3A = arith.constant 0 : i32
      %dma_wait3A_20 = arith.constant 0 : i32
      %dma_wait3A_21 = tpu.memref_slice %arg2[%add3A, %dma_wait3A, %dma_wait3A_20] : memref<32x90x128xi32, #tpu.memory_space<hbm>> -> memref<1x90x128xi32, #tpu.memory_space<hbm>>
      %dma_wait3A_22 = tpu.memref_squeeze %dma_wait3A_21 : memref<1x90x128xi32, #tpu.memory_space<hbm>> -> memref<90x128xi32, #tpu.memory_space<hbm>>
      %dma_wait3A_23 = arith.constant 0 : i32
      %dma_wait3A_24 = arith.constant 0 : i32
      %dma_wait3A_25 = tpu.memref_slice %arg2[%add3A, %dma_wait3A_23, %dma_wait3A_24] : memref<32x90x128xi32, #tpu.memory_space<hbm>> -> memref<1x90x128xi32, #tpu.memory_space<hbm>>
      %dma_wait3A_26 = tpu.memref_squeeze %dma_wait3A_25 : memref<1x90x128xi32, #tpu.memory_space<hbm>> -> memref<90x128xi32, #tpu.memory_space<hbm>>
      tpu.wait_dma2 semaphore(%run_scoped3A : memref<!tpu.dma_semaphore, #tpu.memory_space<semaphore_mem>>) src(%dma_wait3A_26 : memref<90x128xi32, #tpu.memory_space<hbm>>) dst(%arg7 : memref<90x128xi32, #tpu.memory_space<vmem>>)
      tpu.yield
    }) : () -> ()
    "tpu.region"() ({
      %run_scoped3A = tpu.sem_alloc : memref<!tpu.dma_semaphore, #tpu.memory_space<semaphore_mem>>
      %dma_start3A = arith.constant 0 : i32
      %dma_start3A_13 = arith.constant 0 : i32
      %dma_start3A_14 = tpu.memref_slice %arg3[%add3A, %dma_start3A, %dma_start3A_13] : memref<32x90x128xi32, #tpu.memory_space<hbm>> -> memref<1x90x128xi32, #tpu.memory_space<hbm>>
      %dma_start3A_15 = tpu.memref_squeeze %dma_start3A_14 : memref<1x90x128xi32, #tpu.memory_space<hbm>> -> memref<90x128xi32, #tpu.memory_space<hbm>>
      %dma_start3A_16 = arith.constant 0 : i32
      %dma_start3A_17 = arith.constant 0 : i32
      %dma_start3A_18 = tpu.memref_slice %arg3[%add3A, %dma_start3A_16, %dma_start3A_17] : memref<32x90x128xi32, #tpu.memory_space<hbm>> -> memref<1x90x128xi32, #tpu.memory_space<hbm>>
      %dma_start3A_19 = tpu.memref_squeeze %dma_start3A_18 : memref<1x90x128xi32, #tpu.memory_space<hbm>> -> memref<90x128xi32, #tpu.memory_space<hbm>>
      tpu.enqueue_dma source(%dma_start3A_19 : memref<90x128xi32, #tpu.memory_space<hbm>>) target(%arg8 : memref<90x128xi32, #tpu.memory_space<vmem>>) target_semaphore(%run_scoped3A : memref<!tpu.dma_semaphore, #tpu.memory_space<semaphore_mem>>)
      %dma_wait3A = arith.constant 0 : i32
      %dma_wait3A_20 = arith.constant 0 : i32
      %dma_wait3A_21 = tpu.memref_slice %arg3[%add3A, %dma_wait3A, %dma_wait3A_20] : memref<32x90x128xi32, #tpu.memory_space<hbm>> -> memref<1x90x128xi32, #tpu.memory_space<hbm>>
      %dma_wait3A_22 = tpu.memref_squeeze %dma_wait3A_21 : memref<1x90x128xi32, #tpu.memory_space<hbm>> -> memref<90x128xi32, #tpu.memory_space<hbm>>
      %dma_wait3A_23 = arith.constant 0 : i32
      %dma_wait3A_24 = arith.constant 0 : i32
      %dma_wait3A_25 = tpu.memref_slice %arg3[%add3A, %dma_wait3A_23, %dma_wait3A_24] : memref<32x90x128xi32, #tpu.memory_space<hbm>> -> memref<1x90x128xi32, #tpu.memory_space<hbm>>
      %dma_wait3A_26 = tpu.memref_squeeze %dma_wait3A_25 : memref<1x90x128xi32, #tpu.memory_space<hbm>> -> memref<90x128xi32, #tpu.memory_space<hbm>>
      tpu.wait_dma2 semaphore(%run_scoped3A : memref<!tpu.dma_semaphore, #tpu.memory_space<semaphore_mem>>) src(%dma_wait3A_26 : memref<90x128xi32, #tpu.memory_space<hbm>>) dst(%arg8 : memref<90x128xi32, #tpu.memory_space<vmem>>)
      tpu.yield
    }) : () -> ()
    %barrier3A = arith.constant 0 : index
    tpu.barrier barrier_id(%barrier3A)
    %scan3A = arith.constant 0 : i32
    %scan3A_3 = arith.constant 0 : i32
    %scan3A_4 = arith.constant 30 : i32
    %scan3A_5 = arith.addi %scan3A_3, %scan3A_4 : i32
    %scan3A_6 = arith.constant 1 : i32
    scf.for %scan3A_13 = %scan3A_3 to %scan3A_5 step %scan3A_6  : i32 {
      %mul3A_14 = arith.constant 3 : i32
      %mul3A_15 = arith.muli %scan3A_13, %mul3A_14 : i32
      %dma_start3A = arith.constant 0 : i32
      %dma_start3A_16 = tpu.memref_slice %arg7[%mul3A_15, %dma_start3A] : memref<90x128xi32, #tpu.memory_space<vmem>> -> memref<1x128xi32, #tpu.memory_space<vmem>>
      %dma_start3A_17 = tpu.memref_squeeze %dma_start3A_16 : memref<1x128xi32, #tpu.memory_space<vmem>> -> memref<128xi32, #tpu.memory_space<vmem>>
      %dma_start3A_18 = arith.constant 0 : i32
      %dma_start3A_19 = arith.constant 0 : i32
      %dma_start3A_20 = tpu.memref_slice %arg4[%dma_start3A_18, %dma_start3A_19] : memref<11520x16xf32, #tpu.memory_space<hbm>> -> memref<11520x16xf32, #tpu.memory_space<hbm>>
      tpu.enqueue_indirect_dma source(%dma_start3A_20 : memref<11520x16xf32, #tpu.memory_space<hbm>>) target(%arg9 : memref<128x16xf32, #tpu.memory_space<vmem>>) offsets(%dma_start3A_17 : memref<128xi32, #tpu.memory_space<vmem>>) semaphore(%arg13 : memref<!tpu.dma_semaphore, #tpu.memory_space<semaphore_mem>>)
      %add3A_21 = arith.constant 1 : i32
      %add3A_22 = arith.addi %mul3A_15, %add3A_21 : i32
      %dma_start3A_23 = arith.constant 0 : i32
      %dma_start3A_24 = tpu.memref_slice %arg7[%add3A_22, %dma_start3A_23] : memref<90x128xi32, #tpu.memory_space<vmem>> -> memref<1x128xi32, #tpu.memory_space<vmem>>
      %dma_start3A_25 = tpu.memref_squeeze %dma_start3A_24 : memref<1x128xi32, #tpu.memory_space<vmem>> -> memref<128xi32, #tpu.memory_space<vmem>>
      %dma_start3A_26 = arith.constant 0 : i32
      %dma_start3A_27 = arith.constant 0 : i32
      %dma_start3A_28 = tpu.memref_slice %arg4[%dma_start3A_26, %dma_start3A_27] : memref<11520x16xf32, #tpu.memory_space<hbm>> -> memref<11520x16xf32, #tpu.memory_space<hbm>>
      tpu.enqueue_indirect_dma source(%dma_start3A_28 : memref<11520x16xf32, #tpu.memory_space<hbm>>) target(%arg10 : memref<128x16xf32, #tpu.memory_space<vmem>>) offsets(%dma_start3A_25 : memref<128xi32, #tpu.memory_space<vmem>>) semaphore(%arg14 : memref<!tpu.dma_semaphore, #tpu.memory_space<semaphore_mem>>)
      %add3A_29 = arith.constant 2 : i32
      %add3A_30 = arith.addi %mul3A_15, %add3A_29 : i32
      %dma_start3A_31 = arith.constant 0 : i32
      %dma_start3A_32 = tpu.memref_slice %arg7[%add3A_30, %dma_start3A_31] : memref<90x128xi32, #tpu.memory_space<vmem>> -> memref<1x128xi32, #tpu.memory_space<vmem>>
      %dma_start3A_33 = tpu.memref_squeeze %dma_start3A_32 : memref<1x128xi32, #tpu.memory_space<vmem>> -> memref<128xi32, #tpu.memory_space<vmem>>
      %dma_start3A_34 = arith.constant 0 : i32
      %dma_start3A_35 = arith.constant 0 : i32
      %dma_start3A_36 = tpu.memref_slice %arg4[%dma_start3A_34, %dma_start3A_35] : memref<11520x16xf32, #tpu.memory_space<hbm>> -> memref<11520x16xf32, #tpu.memory_space<hbm>>
      tpu.enqueue_indirect_dma source(%dma_start3A_36 : memref<11520x16xf32, #tpu.memory_space<hbm>>) target(%arg11 : memref<128x16xf32, #tpu.memory_space<vmem>>) offsets(%dma_start3A_33 : memref<128xi32, #tpu.memory_space<vmem>>) semaphore(%arg15 : memref<!tpu.dma_semaphore, #tpu.memory_space<semaphore_mem>>)
      %dma_wait3A = arith.constant 0 : i32
      %dma_wait3A_37 = tpu.memref_slice %arg7[%mul3A_15, %dma_wait3A] : memref<90x128xi32, #tpu.memory_space<vmem>> -> memref<1x128xi32, #tpu.memory_space<vmem>>
      %dma_wait3A_38 = tpu.memref_squeeze %dma_wait3A_37 : memref<1x128xi32, #tpu.memory_space<vmem>> -> memref<128xi32, #tpu.memory_space<vmem>>
      %dma_wait3A_39 = arith.constant 0 : i32
      %dma_wait3A_40 = arith.constant 0 : i32
      %dma_wait3A_41 = tpu.memref_slice %arg4[%dma_wait3A_39, %dma_wait3A_40] : memref<11520x16xf32, #tpu.memory_space<hbm>> -> memref<11520x16xf32, #tpu.memory_space<hbm>>
      tpu.wait_indirect_dma semaphore(%arg13 : memref<!tpu.dma_semaphore, #tpu.memory_space<semaphore_mem>>) src(%dma_wait3A_41 : memref<11520x16xf32, #tpu.memory_space<hbm>>) dst(%arg9 : memref<128x16xf32, #tpu.memory_space<vmem>>)
      "tpu.region"() ({
        %run_scoped3A = tpu.sem_alloc : memref<!tpu.dma_semaphore, #tpu.memory_space<semaphore_mem>>
        %dma_start3A_58 = arith.constant 0 : i32
        %dma_start3A_59 = tpu.memref_slice %arg8[%mul3A_15, %dma_start3A_58] : memref<90x128xi32, #tpu.memory_space<vmem>> -> memref<1x128xi32, #tpu.memory_space<vmem>>
        %dma_start3A_60 = tpu.memref_squeeze %dma_start3A_59 : memref<1x128xi32, #tpu.memory_space<vmem>> -> memref<128xi32, #tpu.memory_space<vmem>>
        %dma_start3A_61 = arith.constant 0 : i32
        %dma_start3A_62 = arith.constant 0 : i32
        %dma_start3A_63 = tpu.memref_slice %arg12[%dma_start3A_61, %dma_start3A_62] : memref<11520x16xf32, #tpu.memory_space<vmem_shared>> -> memref<11520x16xf32, #tpu.memory_space<vmem_shared>>
        tpu.enqueue_indirect_dma source(%arg9 : memref<128x16xf32, #tpu.memory_space<vmem>>) target(%dma_start3A_63 : memref<11520x16xf32, #tpu.memory_space<vmem_shared>>) offsets(%dma_start3A_60 : memref<128xi32, #tpu.memory_space<vmem>>) semaphore(%run_scoped3A : memref<!tpu.dma_semaphore, #tpu.memory_space<semaphore_mem>>) {add = true}
        %dma_wait3A_64 = arith.constant 0 : i32
        %dma_wait3A_65 = tpu.memref_slice %arg8[%mul3A_15, %dma_wait3A_64] : memref<90x128xi32, #tpu.memory_space<vmem>> -> memref<1x128xi32, #tpu.memory_space<vmem>>
        %dma_wait3A_66 = tpu.memref_squeeze %dma_wait3A_65 : memref<1x128xi32, #tpu.memory_space<vmem>> -> memref<128xi32, #tpu.memory_space<vmem>>
        %dma_wait3A_67 = arith.constant 0 : i32
        %dma_wait3A_68 = arith.constant 0 : i32
        %dma_wait3A_69 = tpu.memref_slice %arg12[%dma_wait3A_67, %dma_wait3A_68] : memref<11520x16xf32, #tpu.memory_space<vmem_shared>> -> memref<11520x16xf32, #tpu.memory_space<vmem_shared>>
        tpu.wait_indirect_dma semaphore(%run_scoped3A : memref<!tpu.dma_semaphore, #tpu.memory_space<semaphore_mem>>) src(%arg9 : memref<128x16xf32, #tpu.memory_space<vmem>>) dst(%dma_wait3A_69 : memref<11520x16xf32, #tpu.memory_space<vmem_shared>>)
        tpu.yield
      }) : () -> ()
      %dma_wait3A_42 = arith.constant 0 : i32
      %dma_wait3A_43 = tpu.memref_slice %arg7[%add3A_22, %dma_wait3A_42] : memref<90x128xi32, #tpu.memory_space<vmem>> -> memref<1x128xi32, #tpu.memory_space<vmem>>
      %dma_wait3A_44 = tpu.memref_squeeze %dma_wait3A_43 : memref<1x128xi32, #tpu.memory_space<vmem>> -> memref<128xi32, #tpu.memory_space<vmem>>
      %dma_wait3A_45 = arith.constant 0 : i32
      %dma_wait3A_46 = arith.constant 0 : i32
      %dma_wait3A_47 = tpu.memref_slice %arg4[%dma_wait3A_45, %dma_wait3A_46] : memref<11520x16xf32, #tpu.memory_space<hbm>> -> memref<11520x16xf32, #tpu.memory_space<hbm>>
      tpu.wait_indirect_dma semaphore(%arg14 : memref<!tpu.dma_semaphore, #tpu.memory_space<semaphore_mem>>) src(%dma_wait3A_47 : memref<11520x16xf32, #tpu.memory_space<hbm>>) dst(%arg10 : memref<128x16xf32, #tpu.memory_space<vmem>>)
      %add3A_48 = arith.constant 1 : i32
      %add3A_49 = arith.addi %mul3A_15, %add3A_48 : i32
      "tpu.region"() ({
        %run_scoped3A = tpu.sem_alloc : memref<!tpu.dma_semaphore, #tpu.memory_space<semaphore_mem>>
        %dma_start3A_58 = arith.constant 0 : i32
        %dma_start3A_59 = tpu.memref_slice %arg8[%add3A_49, %dma_start3A_58] : memref<90x128xi32, #tpu.memory_space<vmem>> -> memref<1x128xi32, #tpu.memory_space<vmem>>
        %dma_start3A_60 = tpu.memref_squeeze %dma_start3A_59 : memref<1x128xi32, #tpu.memory_space<vmem>> -> memref<128xi32, #tpu.memory_space<vmem>>
        %dma_start3A_61 = arith.constant 0 : i32
        %dma_start3A_62 = arith.constant 0 : i32
        %dma_start3A_63 = tpu.memref_slice %arg12[%dma_start3A_61, %dma_start3A_62] : memref<11520x16xf32, #tpu.memory_space<vmem_shared>> -> memref<11520x16xf32, #tpu.memory_space<vmem_shared>>
        tpu.enqueue_indirect_dma source(%arg10 : memref<128x16xf32, #tpu.memory_space<vmem>>) target(%dma_start3A_63 : memref<11520x16xf32, #tpu.memory_space<vmem_shared>>) offsets(%dma_start3A_60 : memref<128xi32, #tpu.memory_space<vmem>>) semaphore(%run_scoped3A : memref<!tpu.dma_semaphore, #tpu.memory_space<semaphore_mem>>) {add = true}
        %dma_wait3A_64 = arith.constant 0 : i32
        %dma_wait3A_65 = tpu.memref_slice %arg8[%add3A_49, %dma_wait3A_64] : memref<90x128xi32, #tpu.memory_space<vmem>> -> memref<1x128xi32, #tpu.memory_space<vmem>>
        %dma_wait3A_66 = tpu.memref_squeeze %dma_wait3A_65 : memref<1x128xi32, #tpu.memory_space<vmem>> -> memref<128xi32, #tpu.memory_space<vmem>>
        %dma_wait3A_67 = arith.constant 0 : i32
        %dma_wait3A_68 = arith.constant 0 : i32
        %dma_wait3A_69 = tpu.memref_slice %arg12[%dma_wait3A_67, %dma_wait3A_68] : memref<11520x16xf32, #tpu.memory_space<vmem_shared>> -> memref<11520x16xf32, #tpu.memory_space<vmem_shared>>
        tpu.wait_indirect_dma semaphore(%run_scoped3A : memref<!tpu.dma_semaphore, #tpu.memory_space<semaphore_mem>>) src(%arg10 : memref<128x16xf32, #tpu.memory_space<vmem>>) dst(%dma_wait3A_69 : memref<11520x16xf32, #tpu.memory_space<vmem_shared>>)
        tpu.yield
      }) : () -> ()
      %dma_wait3A_50 = arith.constant 0 : i32
      %dma_wait3A_51 = tpu.memref_slice %arg7[%add3A_30, %dma_wait3A_50] : memref<90x128xi32, #tpu.memory_space<vmem>> -> memref<1x128xi32, #tpu.memory_space<vmem>>
      %dma_wait3A_52 = tpu.memref_squeeze %dma_wait3A_51 : memref<1x128xi32, #tpu.memory_space<vmem>> -> memref<128xi32, #tpu.memory_space<vmem>>
      %dma_wait3A_53 = arith.constant 0 : i32
      %dma_wait3A_54 = arith.constant 0 : i32
      %dma_wait3A_55 = tpu.memref_slice %arg4[%dma_wait3A_53, %dma_wait3A_54] : memref<11520x16xf32, #tpu.memory_space<hbm>> -> memref<11520x16xf32, #tpu.memory_space<hbm>>
      tpu.wait_indirect_dma semaphore(%arg15 : memref<!tpu.dma_semaphore, #tpu.memory_space<semaphore_mem>>) src(%dma_wait3A_55 : memref<11520x16xf32, #tpu.memory_space<hbm>>) dst(%arg11 : memref<128x16xf32, #tpu.memory_space<vmem>>)
      %add3A_56 = arith.constant 2 : i32
      %add3A_57 = arith.addi %mul3A_15, %add3A_56 : i32
      "tpu.region"() ({
        %run_scoped3A = tpu.sem_alloc : memref<!tpu.dma_semaphore, #tpu.memory_space<semaphore_mem>>
        %dma_start3A_58 = arith.constant 0 : i32
        %dma_start3A_59 = tpu.memref_slice %arg8[%add3A_57, %dma_start3A_58] : memref<90x128xi32, #tpu.memory_space<vmem>> -> memref<1x128xi32, #tpu.memory_space<vmem>>
        %dma_start3A_60 = tpu.memref_squeeze %dma_start3A_59 : memref<1x128xi32, #tpu.memory_space<vmem>> -> memref<128xi32, #tpu.memory_space<vmem>>
        %dma_start3A_61 = arith.constant 0 : i32
        %dma_start3A_62 = arith.constant 0 : i32
        %dma_start3A_63 = tpu.memref_slice %arg12[%dma_start3A_61, %dma_start3A_62] : memref<11520x16xf32, #tpu.memory_space<vmem_shared>> -> memref<11520x16xf32, #tpu.memory_space<vmem_shared>>
        tpu.enqueue_indirect_dma source(%arg11 : memref<128x16xf32, #tpu.memory_space<vmem>>) target(%dma_start3A_63 : memref<11520x16xf32, #tpu.memory_space<vmem_shared>>) offsets(%dma_start3A_60 : memref<128xi32, #tpu.memory_space<vmem>>) semaphore(%run_scoped3A : memref<!tpu.dma_semaphore, #tpu.memory_space<semaphore_mem>>) {add = true}
        %dma_wait3A_64 = arith.constant 0 : i32
        %dma_wait3A_65 = tpu.memref_slice %arg8[%add3A_57, %dma_wait3A_64] : memref<90x128xi32, #tpu.memory_space<vmem>> -> memref<1x128xi32, #tpu.memory_space<vmem>>
        %dma_wait3A_66 = tpu.memref_squeeze %dma_wait3A_65 : memref<1x128xi32, #tpu.memory_space<vmem>> -> memref<128xi32, #tpu.memory_space<vmem>>
        %dma_wait3A_67 = arith.constant 0 : i32
        %dma_wait3A_68 = arith.constant 0 : i32
        %dma_wait3A_69 = tpu.memref_slice %arg12[%dma_wait3A_67, %dma_wait3A_68] : memref<11520x16xf32, #tpu.memory_space<vmem_shared>> -> memref<11520x16xf32, #tpu.memory_space<vmem_shared>>
        tpu.wait_indirect_dma semaphore(%run_scoped3A : memref<!tpu.dma_semaphore, #tpu.memory_space<semaphore_mem>>) src(%arg11 : memref<128x16xf32, #tpu.memory_space<vmem>>) dst(%dma_wait3A_69 : memref<11520x16xf32, #tpu.memory_space<vmem_shared>>)
        tpu.yield
      }) : () -> ()
    }
    %scan3A_7 = arith.constant 30 : i32
    %barrier3A_8 = arith.constant 0 : index
    tpu.barrier barrier_id(%barrier3A_8)
    %mul3A_9 = arith.constant 720 : i32
    %mul3A_10 = arith.muli %arg1, %mul3A_9 : i32
    %mul3A_11 = arith.constant 720 : i32
    %mul3A_12 = arith.muli %arg1, %mul3A_11 : i32
    "tpu.region"() ({
      %run_scoped3A = tpu.sem_alloc : memref<!tpu.dma_semaphore, #tpu.memory_space<semaphore_mem>>
      %dma_start3A = arith.constant 0 : i32
      %dma_start3A_13 = tpu.memref_slice %arg6[%arg0, %mul3A_12, %dma_start3A] : memref<2x11520x16xf32, #tpu.memory_space<hbm>> -> memref<1x720x16xf32, #tpu.memory_space<hbm>>
      %dma_start3A_14 = tpu.memref_squeeze %dma_start3A_13 : memref<1x720x16xf32, #tpu.memory_space<hbm>> -> memref<720x16xf32, #tpu.memory_space<hbm>>
      %dma_start3A_15 = arith.constant 0 : i32
      %dma_start3A_16 = tpu.memref_slice %arg12[%mul3A_10, %dma_start3A_15] : memref<11520x16xf32, #tpu.memory_space<vmem_shared>> -> memref<720x16xf32, #tpu.memory_space<vmem_shared>>
      tpu.enqueue_dma source(%dma_start3A_16 : memref<720x16xf32, #tpu.memory_space<vmem_shared>>) target(%dma_start3A_14 : memref<720x16xf32, #tpu.memory_space<hbm>>) target_semaphore(%run_scoped3A : memref<!tpu.dma_semaphore, #tpu.memory_space<semaphore_mem>>)
      %dma_wait3A = arith.constant 0 : i32
      %dma_wait3A_17 = tpu.memref_slice %arg6[%arg0, %mul3A_12, %dma_wait3A] : memref<2x11520x16xf32, #tpu.memory_space<hbm>> -> memref<1x720x16xf32, #tpu.memory_space<hbm>>
      %dma_wait3A_18 = tpu.memref_squeeze %dma_wait3A_17 : memref<1x720x16xf32, #tpu.memory_space<hbm>> -> memref<720x16xf32, #tpu.memory_space<hbm>>
      %dma_wait3A_19 = arith.constant 0 : i32
      %dma_wait3A_20 = tpu.memref_slice %arg12[%mul3A_10, %dma_wait3A_19] : memref<11520x16xf32, #tpu.memory_space<vmem_shared>> -> memref<720x16xf32, #tpu.memory_space<vmem_shared>>
      tpu.wait_dma2 semaphore(%run_scoped3A : memref<!tpu.dma_semaphore, #tpu.memory_space<semaphore_mem>>) src(%dma_wait3A_20 : memref<720x16xf32, #tpu.memory_space<vmem_shared>>) dst(%dma_wait3A_18 : memref<720x16xf32, #tpu.memory_space<hbm>>)
      tpu.yield
    }) : () -> ()
    return
  }
}

#map = affine_map<(d0, d1) -> (0, 0, 0)>
#map1 = affine_map<(d0, d1) -> (0, 0)>
module attributes {stable_mosaic.version = 14 : i64} {
  func.func @conv_kernel(%arg0: i32, %arg1: i32, %arg2: memref<32x90x128xi32, #tpu.memory_space<hbm>>, %arg3: memref<32x90x128xi32, #tpu.memory_space<hbm>>, %arg4: memref<11520x16xf32, #tpu.memory_space<hbm>>, %arg5: memref<720x16xf32, #tpu.memory_space<hbm>>, %arg6: memref<2x11520x16xf32, #tpu.memory_space<hbm>>, %arg7: memref<90x128xi32, #tpu.memory_space<vmem>>, %arg8: memref<90x128xi32, #tpu.memory_space<vmem>>, %arg9: memref<128x16xf32, #tpu.memory_space<vmem>>, %arg10: memref<128x16xf32, #tpu.memory_space<vmem>>, %arg11: memref<128x16xf32, #tpu.memory_space<vmem>>, %arg12: memref<11520x16xf32, #tpu.memory_space<vmem_shared>>, %arg13: memref<!tpu.dma_semaphore, #tpu.memory_space<semaphore_mem>>, %arg14: memref<!tpu.dma_semaphore, #tpu.memory_space<semaphore_mem>>, %arg15: memref<!tpu.dma_semaphore, #tpu.memory_space<semaphore_mem>>) attributes {dimension_semantics = [#tpu.dimension_semantics<core_parallel>, #tpu.dimension_semantics<subcore_parallel>], iteration_bounds = array<i64: 2, 16>, scalar_prefetch = 0 : i64, scratch_operands = 9 : i64, tpu.core_type = #tpu.core_type<sc_vector_subcore>, window_params = [{transform_indices = #map}, {transform_indices = #map}, {transform_indices = #map1}, {transform_indices = #map1}, {transform_indices = #map}]} {
    %mul3A = arith.constant 16 : i32
    %mul3A_0 = arith.muli %arg0, %mul3A : i32
    %add3A = arith.addi %mul3A_0, %arg1 : i32
    %mul3A_1 = arith.constant 720 : i32
    %mul3A_2 = arith.muli %arg1, %mul3A_1 : i32
    "tpu.region"() ({
      %run_scoped3A = tpu.sem_alloc : memref<!tpu.dma_semaphore, #tpu.memory_space<semaphore_mem>>
      %dma_start3A = arith.constant 0 : i32
      %dma_start3A_13 = tpu.memref_slice %arg12[%mul3A_2, %dma_start3A] : memref<11520x16xf32, #tpu.memory_space<vmem_shared>> -> memref<720x16xf32, #tpu.memory_space<vmem_shared>>
      tpu.enqueue_dma source(%arg5 : memref<720x16xf32, #tpu.memory_space<hbm>>) target(%dma_start3A_13 : memref<720x16xf32, #tpu.memory_space<vmem_shared>>) target_semaphore(%run_scoped3A : memref<!tpu.dma_semaphore, #tpu.memory_space<semaphore_mem>>)
      %dma_wait3A = arith.constant 0 : i32
      %dma_wait3A_14 = tpu.memref_slice %arg12[%mul3A_2, %dma_wait3A] : memref<11520x16xf32, #tpu.memory_space<vmem_shared>> -> memref<720x16xf32, #tpu.memory_space<vmem_shared>>
      tpu.wait_dma2 semaphore(%run_scoped3A : memref<!tpu.dma_semaphore, #tpu.memory_space<semaphore_mem>>) src(%arg5 : memref<720x16xf32, #tpu.memory_space<hbm>>) dst(%dma_wait3A_14 : memref<720x16xf32, #tpu.memory_space<vmem_shared>>)
      tpu.yield
    }) : () -> ()
    "tpu.region"() ({
      %run_scoped3A = tpu.sem_alloc : memref<!tpu.dma_semaphore, #tpu.memory_space<semaphore_mem>>
      %dma_start3A = arith.constant 0 : i32
      %dma_start3A_13 = arith.constant 0 : i32
      %dma_start3A_14 = tpu.memref_slice %arg2[%add3A, %dma_start3A, %dma_start3A_13] : memref<32x90x128xi32, #tpu.memory_space<hbm>> -> memref<1x90x128xi32, #tpu.memory_space<hbm>>
      %dma_start3A_15 = tpu.memref_squeeze %dma_start3A_14 : memref<1x90x128xi32, #tpu.memory_space<hbm>> -> memref<90x128xi32, #tpu.memory_space<hbm>>
      %dma_start3A_16 = arith.constant 0 : i32
      %dma_start3A_17 = arith.constant 0 : i32
      %dma_start3A_18 = tpu.memref_slice %arg2[%add3A, %dma_start3A_16, %dma_start3A_17] : memref<32x90x128xi32, #tpu.memory_space<hbm>> -> memref<1x90x128xi32, #tpu.memory_space<hbm>>
      %dma_start3A_19 = tpu.memref_squeeze %dma_start3A_18 : memref<1x90x128xi32, #tpu.memory_space<hbm>> -> memref<90x128xi32, #tpu.memory_space<hbm>>
      tpu.enqueue_dma source(%dma_start3A_19 : memref<90x128xi32, #tpu.memory_space<hbm>>) target(%arg7 : memref<90x128xi32, #tpu.memory_space<vmem>>) target_semaphore(%run_scoped3A : memref<!tpu.dma_semaphore, #tpu.memory_space<semaphore_mem>>)
      %dma_wait3A = arith.constant 0 : i32
      %dma_wait3A_20 = arith.constant 0 : i32
      %dma_wait3A_21 = tpu.memref_slice %arg2[%add3A, %dma_wait3A, %dma_wait3A_20] : memref<32x90x128xi32, #tpu.memory_space<hbm>> -> memref<1x90x128xi32, #tpu.memory_space<hbm>>
      %dma_wait3A_22 = tpu.memref_squeeze %dma_wait3A_21 : memref<1x90x128xi32, #tpu.memory_space<hbm>> -> memref<90x128xi32, #tpu.memory_space<hbm>>
      %dma_wait3A_23 = arith.constant 0 : i32
      %dma_wait3A_24 = arith.constant 0 : i32
      %dma_wait3A_25 = tpu.memref_slice %arg2[%add3A, %dma_wait3A_23, %dma_wait3A_24] : memref<32x90x128xi32, #tpu.memory_space<hbm>> -> memref<1x90x128xi32, #tpu.memory_space<hbm>>
      %dma_wait3A_26 = tpu.memref_squeeze %dma_wait3A_25 : memref<1x90x128xi32, #tpu.memory_space<hbm>> -> memref<90x128xi32, #tpu.memory_space<hbm>>
      tpu.wait_dma2 semaphore(%run_scoped3A : memref<!tpu.dma_semaphore, #tpu.memory_space<semaphore_mem>>) src(%dma_wait3A_26 : memref<90x128xi32, #tpu.memory_space<hbm>>) dst(%arg7 : memref<90x128xi32, #tpu.memory_space<vmem>>)
      tpu.yield
    }) : () -> ()
    "tpu.region"() ({
      %run_scoped3A = tpu.sem_alloc : memref<!tpu.dma_semaphore, #tpu.memory_space<semaphore_mem>>
      %dma_start3A = arith.constant 0 : i32
      %dma_start3A_13 = arith.constant 0 : i32
      %dma_start3A_14 = tpu.memref_slice %arg3[%add3A, %dma_start3A, %dma_start3A_13] : memref<32x90x128xi32, #tpu.memory_space<hbm>> -> memref<1x90x128xi32, #tpu.memory_space<hbm>>
      %dma_start3A_15 = tpu.memref_squeeze %dma_start3A_14 : memref<1x90x128xi32, #tpu.memory_space<hbm>> -> memref<90x128xi32, #tpu.memory_space<hbm>>
      %dma_start3A_16 = arith.constant 0 : i32
      %dma_start3A_17 = arith.constant 0 : i32
      %dma_start3A_18 = tpu.memref_slice %arg3[%add3A, %dma_start3A_16, %dma_start3A_17] : memref<32x90x128xi32, #tpu.memory_space<hbm>> -> memref<1x90x128xi32, #tpu.memory_space<hbm>>
      %dma_start3A_19 = tpu.memref_squeeze %dma_start3A_18 : memref<1x90x128xi32, #tpu.memory_space<hbm>> -> memref<90x128xi32, #tpu.memory_space<hbm>>
      tpu.enqueue_dma source(%dma_start3A_19 : memref<90x128xi32, #tpu.memory_space<hbm>>) target(%arg8 : memref<90x128xi32, #tpu.memory_space<vmem>>) target_semaphore(%run_scoped3A : memref<!tpu.dma_semaphore, #tpu.memory_space<semaphore_mem>>)
      %dma_wait3A = arith.constant 0 : i32
      %dma_wait3A_20 = arith.constant 0 : i32
      %dma_wait3A_21 = tpu.memref_slice %arg3[%add3A, %dma_wait3A, %dma_wait3A_20] : memref<32x90x128xi32, #tpu.memory_space<hbm>> -> memref<1x90x128xi32, #tpu.memory_space<hbm>>
      %dma_wait3A_22 = tpu.memref_squeeze %dma_wait3A_21 : memref<1x90x128xi32, #tpu.memory_space<hbm>> -> memref<90x128xi32, #tpu.memory_space<hbm>>
      %dma_wait3A_23 = arith.constant 0 : i32
      %dma_wait3A_24 = arith.constant 0 : i32
      %dma_wait3A_25 = tpu.memref_slice %arg3[%add3A, %dma_wait3A_23, %dma_wait3A_24] : memref<32x90x128xi32, #tpu.memory_space<hbm>> -> memref<1x90x128xi32, #tpu.memory_space<hbm>>
      %dma_wait3A_26 = tpu.memref_squeeze %dma_wait3A_25 : memref<1x90x128xi32, #tpu.memory_space<hbm>> -> memref<90x128xi32, #tpu.memory_space<hbm>>
      tpu.wait_dma2 semaphore(%run_scoped3A : memref<!tpu.dma_semaphore, #tpu.memory_space<semaphore_mem>>) src(%dma_wait3A_26 : memref<90x128xi32, #tpu.memory_space<hbm>>) dst(%arg8 : memref<90x128xi32, #tpu.memory_space<vmem>>)
      tpu.yield
    }) : () -> ()
    %barrier3A = arith.constant 0 : index
    tpu.barrier barrier_id(%barrier3A)
    %scan3A = arith.constant 0 : i32
    %scan3A_3 = arith.constant 0 : i32
    %scan3A_4 = arith.constant 30 : i32
    %scan3A_5 = arith.addi %scan3A_3, %scan3A_4 : i32
    %scan3A_6 = arith.constant 1 : i32
    scf.for %scan3A_13 = %scan3A_3 to %scan3A_5 step %scan3A_6  : i32 {
      %mul3A_14 = arith.constant 3 : i32
      %mul3A_15 = arith.muli %scan3A_13, %mul3A_14 : i32
      %dma_start3A = arith.constant 0 : i32
      %dma_start3A_16 = tpu.memref_slice %arg7[%mul3A_15, %dma_start3A] : memref<90x128xi32, #tpu.memory_space<vmem>> -> memref<1x128xi32, #tpu.memory_space<vmem>>
      %dma_start3A_17 = tpu.memref_squeeze %dma_start3A_16 : memref<1x128xi32, #tpu.memory_space<vmem>> -> memref<128xi32, #tpu.memory_space<vmem>>
      %dma_start3A_18 = arith.constant 0 : i32
      %dma_start3A_19 = arith.constant 0 : i32
      %dma_start3A_20 = tpu.memref_slice %arg4[%dma_start3A_18, %dma_start3A_19] : memref<11520x16xf32, #tpu.memory_space<hbm>> -> memref<11520x16xf32, #tpu.memory_space<hbm>>
      tpu.enqueue_indirect_dma source(%dma_start3A_20 : memref<11520x16xf32, #tpu.memory_space<hbm>>) target(%arg9 : memref<128x16xf32, #tpu.memory_space<vmem>>) offsets(%dma_start3A_17 : memref<128xi32, #tpu.memory_space<vmem>>) semaphore(%arg13 : memref<!tpu.dma_semaphore, #tpu.memory_space<semaphore_mem>>)
      %add3A_21 = arith.constant 1 : i32
      %add3A_22 = arith.addi %mul3A_15, %add3A_21 : i32
      %dma_start3A_23 = arith.constant 0 : i32
      %dma_start3A_24 = tpu.memref_slice %arg7[%add3A_22, %dma_start3A_23] : memref<90x128xi32, #tpu.memory_space<vmem>> -> memref<1x128xi32, #tpu.memory_space<vmem>>
      %dma_start3A_25 = tpu.memref_squeeze %dma_start3A_24 : memref<1x128xi32, #tpu.memory_space<vmem>> -> memref<128xi32, #tpu.memory_space<vmem>>
      %dma_start3A_26 = arith.constant 0 : i32
      %dma_start3A_27 = arith.constant 0 : i32
      %dma_start3A_28 = tpu.memref_slice %arg4[%dma_start3A_26, %dma_start3A_27] : memref<11520x16xf32, #tpu.memory_space<hbm>> -> memref<11520x16xf32, #tpu.memory_space<hbm>>
      tpu.enqueue_indirect_dma source(%dma_start3A_28 : memref<11520x16xf32, #tpu.memory_space<hbm>>) target(%arg10 : memref<128x16xf32, #tpu.memory_space<vmem>>) offsets(%dma_start3A_25 : memref<128xi32, #tpu.memory_space<vmem>>) semaphore(%arg14 : memref<!tpu.dma_semaphore, #tpu.memory_space<semaphore_mem>>)
      %add3A_29 = arith.constant 2 : i32
      %add3A_30 = arith.addi %mul3A_15, %add3A_29 : i32
      %dma_start3A_31 = arith.constant 0 : i32
      %dma_start3A_32 = tpu.memref_slice %arg7[%add3A_30, %dma_start3A_31] : memref<90x128xi32, #tpu.memory_space<vmem>> -> memref<1x128xi32, #tpu.memory_space<vmem>>
      %dma_start3A_33 = tpu.memref_squeeze %dma_start3A_32 : memref<1x128xi32, #tpu.memory_space<vmem>> -> memref<128xi32, #tpu.memory_space<vmem>>
      %dma_start3A_34 = arith.constant 0 : i32
      %dma_start3A_35 = arith.constant 0 : i32
      %dma_start3A_36 = tpu.memref_slice %arg4[%dma_start3A_34, %dma_start3A_35] : memref<11520x16xf32, #tpu.memory_space<hbm>> -> memref<11520x16xf32, #tpu.memory_space<hbm>>
      tpu.enqueue_indirect_dma source(%dma_start3A_36 : memref<11520x16xf32, #tpu.memory_space<hbm>>) target(%arg11 : memref<128x16xf32, #tpu.memory_space<vmem>>) offsets(%dma_start3A_33 : memref<128xi32, #tpu.memory_space<vmem>>) semaphore(%arg15 : memref<!tpu.dma_semaphore, #tpu.memory_space<semaphore_mem>>)
      %dma_wait3A = arith.constant 0 : i32
      %dma_wait3A_37 = tpu.memref_slice %arg7[%mul3A_15, %dma_wait3A] : memref<90x128xi32, #tpu.memory_space<vmem>> -> memref<1x128xi32, #tpu.memory_space<vmem>>
      %dma_wait3A_38 = tpu.memref_squeeze %dma_wait3A_37 : memref<1x128xi32, #tpu.memory_space<vmem>> -> memref<128xi32, #tpu.memory_space<vmem>>
      %dma_wait3A_39 = arith.constant 0 : i32
      %dma_wait3A_40 = arith.constant 0 : i32
      %dma_wait3A_41 = tpu.memref_slice %arg4[%dma_wait3A_39, %dma_wait3A_40] : memref<11520x16xf32, #tpu.memory_space<hbm>> -> memref<11520x16xf32, #tpu.memory_space<hbm>>
      tpu.wait_indirect_dma semaphore(%arg13 : memref<!tpu.dma_semaphore, #tpu.memory_space<semaphore_mem>>) src(%dma_wait3A_41 : memref<11520x16xf32, #tpu.memory_space<hbm>>) dst(%arg9 : memref<128x16xf32, #tpu.memory_space<vmem>>)
      "tpu.region"() ({
        %run_scoped3A = tpu.sem_alloc : memref<!tpu.dma_semaphore, #tpu.memory_space<semaphore_mem>>
        %dma_start3A_58 = arith.constant 0 : i32
        %dma_start3A_59 = tpu.memref_slice %arg8[%mul3A_15, %dma_start3A_58] : memref<90x128xi32, #tpu.memory_space<vmem>> -> memref<1x128xi32, #tpu.memory_space<vmem>>
        %dma_start3A_60 = tpu.memref_squeeze %dma_start3A_59 : memref<1x128xi32, #tpu.memory_space<vmem>> -> memref<128xi32, #tpu.memory_space<vmem>>
        %dma_start3A_61 = arith.constant 0 : i32
        %dma_start3A_62 = arith.constant 0 : i32
        %dma_start3A_63 = tpu.memref_slice %arg12[%dma_start3A_61, %dma_start3A_62] : memref<11520x16xf32, #tpu.memory_space<vmem_shared>> -> memref<11520x16xf32, #tpu.memory_space<vmem_shared>>
        tpu.enqueue_indirect_dma source(%arg9 : memref<128x16xf32, #tpu.memory_space<vmem>>) target(%dma_start3A_63 : memref<11520x16xf32, #tpu.memory_space<vmem_shared>>) offsets(%dma_start3A_60 : memref<128xi32, #tpu.memory_space<vmem>>) semaphore(%run_scoped3A : memref<!tpu.dma_semaphore, #tpu.memory_space<semaphore_mem>>) {add = true}
        %dma_wait3A_64 = arith.constant 0 : i32
        %dma_wait3A_65 = tpu.memref_slice %arg8[%mul3A_15, %dma_wait3A_64] : memref<90x128xi32, #tpu.memory_space<vmem>> -> memref<1x128xi32, #tpu.memory_space<vmem>>
        %dma_wait3A_66 = tpu.memref_squeeze %dma_wait3A_65 : memref<1x128xi32, #tpu.memory_space<vmem>> -> memref<128xi32, #tpu.memory_space<vmem>>
        %dma_wait3A_67 = arith.constant 0 : i32
        %dma_wait3A_68 = arith.constant 0 : i32
        %dma_wait3A_69 = tpu.memref_slice %arg12[%dma_wait3A_67, %dma_wait3A_68] : memref<11520x16xf32, #tpu.memory_space<vmem_shared>> -> memref<11520x16xf32, #tpu.memory_space<vmem_shared>>
        tpu.wait_indirect_dma semaphore(%run_scoped3A : memref<!tpu.dma_semaphore, #tpu.memory_space<semaphore_mem>>) src(%arg9 : memref<128x16xf32, #tpu.memory_space<vmem>>) dst(%dma_wait3A_69 : memref<11520x16xf32, #tpu.memory_space<vmem_shared>>)
        tpu.yield
      }) : () -> ()
      %dma_wait3A_42 = arith.constant 0 : i32
      %dma_wait3A_43 = tpu.memref_slice %arg7[%add3A_22, %dma_wait3A_42] : memref<90x128xi32, #tpu.memory_space<vmem>> -> memref<1x128xi32, #tpu.memory_space<vmem>>
      %dma_wait3A_44 = tpu.memref_squeeze %dma_wait3A_43 : memref<1x128xi32, #tpu.memory_space<vmem>> -> memref<128xi32, #tpu.memory_space<vmem>>
      %dma_wait3A_45 = arith.constant 0 : i32
      %dma_wait3A_46 = arith.constant 0 : i32
      %dma_wait3A_47 = tpu.memref_slice %arg4[%dma_wait3A_45, %dma_wait3A_46] : memref<11520x16xf32, #tpu.memory_space<hbm>> -> memref<11520x16xf32, #tpu.memory_space<hbm>>
      tpu.wait_indirect_dma semaphore(%arg14 : memref<!tpu.dma_semaphore, #tpu.memory_space<semaphore_mem>>) src(%dma_wait3A_47 : memref<11520x16xf32, #tpu.memory_space<hbm>>) dst(%arg10 : memref<128x16xf32, #tpu.memory_space<vmem>>)
      %add3A_48 = arith.constant 1 : i32
      %add3A_49 = arith.addi %mul3A_15, %add3A_48 : i32
      "tpu.region"() ({
        %run_scoped3A = tpu.sem_alloc : memref<!tpu.dma_semaphore, #tpu.memory_space<semaphore_mem>>
        %dma_start3A_58 = arith.constant 0 : i32
        %dma_start3A_59 = tpu.memref_slice %arg8[%add3A_49, %dma_start3A_58] : memref<90x128xi32, #tpu.memory_space<vmem>> -> memref<1x128xi32, #tpu.memory_space<vmem>>
        %dma_start3A_60 = tpu.memref_squeeze %dma_start3A_59 : memref<1x128xi32, #tpu.memory_space<vmem>> -> memref<128xi32, #tpu.memory_space<vmem>>
        %dma_start3A_61 = arith.constant 0 : i32
        %dma_start3A_62 = arith.constant 0 : i32
        %dma_start3A_63 = tpu.memref_slice %arg12[%dma_start3A_61, %dma_start3A_62] : memref<11520x16xf32, #tpu.memory_space<vmem_shared>> -> memref<11520x16xf32, #tpu.memory_space<vmem_shared>>
        tpu.enqueue_indirect_dma source(%arg10 : memref<128x16xf32, #tpu.memory_space<vmem>>) target(%dma_start3A_63 : memref<11520x16xf32, #tpu.memory_space<vmem_shared>>) offsets(%dma_start3A_60 : memref<128xi32, #tpu.memory_space<vmem>>) semaphore(%run_scoped3A : memref<!tpu.dma_semaphore, #tpu.memory_space<semaphore_mem>>) {add = true}
        %dma_wait3A_64 = arith.constant 0 : i32
        %dma_wait3A_65 = tpu.memref_slice %arg8[%add3A_49, %dma_wait3A_64] : memref<90x128xi32, #tpu.memory_space<vmem>> -> memref<1x128xi32, #tpu.memory_space<vmem>>
        %dma_wait3A_66 = tpu.memref_squeeze %dma_wait3A_65 : memref<1x128xi32, #tpu.memory_space<vmem>> -> memref<128xi32, #tpu.memory_space<vmem>>
        %dma_wait3A_67 = arith.constant 0 : i32
        %dma_wait3A_68 = arith.constant 0 : i32
        %dma_wait3A_69 = tpu.memref_slice %arg12[%dma_wait3A_67, %dma_wait3A_68] : memref<11520x16xf32, #tpu.memory_space<vmem_shared>> -> memref<11520x16xf32, #tpu.memory_space<vmem_shared>>
        tpu.wait_indirect_dma semaphore(%run_scoped3A : memref<!tpu.dma_semaphore, #tpu.memory_space<semaphore_mem>>) src(%arg10 : memref<128x16xf32, #tpu.memory_space<vmem>>) dst(%dma_wait3A_69 : memref<11520x16xf32, #tpu.memory_space<vmem_shared>>)
        tpu.yield
      }) : () -> ()
      %dma_wait3A_50 = arith.constant 0 : i32
      %dma_wait3A_51 = tpu.memref_slice %arg7[%add3A_30, %dma_wait3A_50] : memref<90x128xi32, #tpu.memory_space<vmem>> -> memref<1x128xi32, #tpu.memory_space<vmem>>
      %dma_wait3A_52 = tpu.memref_squeeze %dma_wait3A_51 : memref<1x128xi32, #tpu.memory_space<vmem>> -> memref<128xi32, #tpu.memory_space<vmem>>
      %dma_wait3A_53 = arith.constant 0 : i32
      %dma_wait3A_54 = arith.constant 0 : i32
      %dma_wait3A_55 = tpu.memref_slice %arg4[%dma_wait3A_53, %dma_wait3A_54] : memref<11520x16xf32, #tpu.memory_space<hbm>> -> memref<11520x16xf32, #tpu.memory_space<hbm>>
      tpu.wait_indirect_dma semaphore(%arg15 : memref<!tpu.dma_semaphore, #tpu.memory_space<semaphore_mem>>) src(%dma_wait3A_55 : memref<11520x16xf32, #tpu.memory_space<hbm>>) dst(%arg11 : memref<128x16xf32, #tpu.memory_space<vmem>>)
      %add3A_56 = arith.constant 2 : i32
      %add3A_57 = arith.addi %mul3A_15, %add3A_56 : i32
      "tpu.region"() ({
        %run_scoped3A = tpu.sem_alloc : memref<!tpu.dma_semaphore, #tpu.memory_space<semaphore_mem>>
        %dma_start3A_58 = arith.constant 0 : i32
        %dma_start3A_59 = tpu.memref_slice %arg8[%add3A_57, %dma_start3A_58] : memref<90x128xi32, #tpu.memory_space<vmem>> -> memref<1x128xi32, #tpu.memory_space<vmem>>
        %dma_start3A_60 = tpu.memref_squeeze %dma_start3A_59 : memref<1x128xi32, #tpu.memory_space<vmem>> -> memref<128xi32, #tpu.memory_space<vmem>>
        %dma_start3A_61 = arith.constant 0 : i32
        %dma_start3A_62 = arith.constant 0 : i32
        %dma_start3A_63 = tpu.memref_slice %arg12[%dma_start3A_61, %dma_start3A_62] : memref<11520x16xf32, #tpu.memory_space<vmem_shared>> -> memref<11520x16xf32, #tpu.memory_space<vmem_shared>>
        tpu.enqueue_indirect_dma source(%arg11 : memref<128x16xf32, #tpu.memory_space<vmem>>) target(%dma_start3A_63 : memref<11520x16xf32, #tpu.memory_space<vmem_shared>>) offsets(%dma_start3A_60 : memref<128xi32, #tpu.memory_space<vmem>>) semaphore(%run_scoped3A : memref<!tpu.dma_semaphore, #tpu.memory_space<semaphore_mem>>) {add = true}
        %dma_wait3A_64 = arith.constant 0 : i32
        %dma_wait3A_65 = tpu.memref_slice %arg8[%add3A_57, %dma_wait3A_64] : memref<90x128xi32, #tpu.memory_space<vmem>> -> memref<1x128xi32, #tpu.memory_space<vmem>>
        %dma_wait3A_66 = tpu.memref_squeeze %dma_wait3A_65 : memref<1x128xi32, #tpu.memory_space<vmem>> -> memref<128xi32, #tpu.memory_space<vmem>>
        %dma_wait3A_67 = arith.constant 0 : i32
        %dma_wait3A_68 = arith.constant 0 : i32
        %dma_wait3A_69 = tpu.memref_slice %arg12[%dma_wait3A_67, %dma_wait3A_68] : memref<11520x16xf32, #tpu.memory_space<vmem_shared>> -> memref<11520x16xf32, #tpu.memory_space<vmem_shared>>
        tpu.wait_indirect_dma semaphore(%run_scoped3A : memref<!tpu.dma_semaphore, #tpu.memory_space<semaphore_mem>>) src(%arg11 : memref<128x16xf32, #tpu.memory_space<vmem>>) dst(%dma_wait3A_69 : memref<11520x16xf32, #tpu.memory_space<vmem_shared>>)
        tpu.yield
      }) : () -> ()
    }
    %scan3A_7 = arith.constant 30 : i32
    %barrier3A_8 = arith.constant 0 : index
    tpu.barrier barrier_id(%barrier3A_8)
    %mul3A_9 = arith.constant 720 : i32
    %mul3A_10 = arith.muli %arg1, %mul3A_9 : i32
    %mul3A_11 = arith.constant 720 : i32
    %mul3A_12 = arith.muli %arg1, %mul3A_11 : i32
    "tpu.region"() ({
      %run_scoped3A = tpu.sem_alloc : memref<!tpu.dma_semaphore, #tpu.memory_space<semaphore_mem>>
      %dma_start3A = arith.constant 0 : i32
      %dma_start3A_13 = tpu.memref_slice %arg6[%arg0, %mul3A_12, %dma_start3A] : memref<2x11520x16xf32, #tpu.memory_space<hbm>> -> memref<1x720x16xf32, #tpu.memory_space<hbm>>
      %dma_start3A_14 = tpu.memref_squeeze %dma_start3A_13 : memref<1x720x16xf32, #tpu.memory_space<hbm>> -> memref<720x16xf32, #tpu.memory_space<hbm>>
      %dma_start3A_15 = arith.constant 0 : i32
      %dma_start3A_16 = tpu.memref_slice %arg12[%mul3A_10, %dma_start3A_15] : memref<11520x16xf32, #tpu.memory_space<vmem_shared>> -> memref<720x16xf32, #tpu.memory_space<vmem_shared>>
      tpu.enqueue_dma source(%dma_start3A_16 : memref<720x16xf32, #tpu.memory_space<vmem_shared>>) target(%dma_start3A_14 : memref<720x16xf32, #tpu.memory_space<hbm>>) target_semaphore(%run_scoped3A : memref<!tpu.dma_semaphore, #tpu.memory_space<semaphore_mem>>)
      %dma_wait3A = arith.constant 0 : i32
      %dma_wait3A_17 = tpu.memref_slice %arg6[%arg0, %mul3A_12, %dma_wait3A] : memref<2x11520x16xf32, #tpu.memory_space<hbm>> -> memref<1x720x16xf32, #tpu.memory_space<hbm>>
      %dma_wait3A_18 = tpu.memref_squeeze %dma_wait3A_17 : memref<1x720x16xf32, #tpu.memory_space<hbm>> -> memref<720x16xf32, #tpu.memory_space<hbm>>
      %dma_wait3A_19 = arith.constant 0 : i32
      %dma_wait3A_20 = tpu.memref_slice %arg12[%mul3A_10, %dma_wait3A_19] : memref<11520x16xf32, #tpu.memory_space<vmem_shared>> -> memref<720x16xf32, #tpu.memory_space<vmem_shared>>
      tpu.wait_dma2 semaphore(%run_scoped3A : memref<!tpu.dma_semaphore, #tpu.memory_space<semaphore_mem>>) src(%dma_wait3A_20 : memref<720x16xf32, #tpu.memory_space<vmem_shared>>) dst(%dma_wait3A_18 : memref<720x16xf32, #tpu.memory_space<hbm>>)
      tpu.yield
    }) : () -> ()
    return
  }
}

module attributes {stable_mosaic.version = 14 : i64} {
  func.func @_enc_body(%arg0: i32, %arg1: i32, %arg2: memref<1x576x1xf32, #tpu.memory_space<vmem>>, %arg3: memref<1x5760x1xf32, #tpu.memory_space<vmem>>, %arg4: memref<2x576x16xf32, #tpu.memory_space<vmem>>, %arg5: memref<1x8xf32, #tpu.memory_space<vmem>>, %arg6: memref<1x8xf32, #tpu.memory_space<vmem>>, %arg7: memref<8x8xf32, #tpu.memory_space<vmem>>, %arg8: memref<1x8xf32, #tpu.memory_space<vmem>>, %arg9: memref<8x8xf32, #tpu.memory_space<vmem>>, %arg10: memref<1x8xf32, #tpu.memory_space<vmem>>, %arg11: memref<8x8xf32, #tpu.memory_space<vmem>>, %arg12: memref<1x8xf32, #tpu.memory_space<vmem>>, %arg13: memref<8x8xf32, #tpu.memory_space<vmem>>, %arg14: memref<1x8xf32, #tpu.memory_space<vmem>>, %arg15: memref<1x8xf32, #tpu.memory_space<vmem>>, %arg16: memref<1x8xf32, #tpu.memory_space<vmem>>, %arg17: memref<8x8xf32, #tpu.memory_space<vmem>>, %arg18: memref<1x8xf32, #tpu.memory_space<vmem>>, %arg19: memref<8x8xf32, #tpu.memory_space<vmem>>, %arg20: memref<1x8xf32, #tpu.memory_space<vmem>>, %arg21: memref<1x8xf32, #tpu.memory_space<vmem>>, %arg22: memref<1x8xf32, #tpu.memory_space<vmem>>, %arg23: memref<8x16xf32, #tpu.memory_space<vmem>>, %arg24: memref<576x16xf32, #tpu.memory_space<vmem>>) attributes {dimension_semantics = [#tpu.dimension_semantics<arbitrary>, #tpu.dimension_semantics<arbitrary>], iteration_bounds = array<i64: 2, 10>, scalar_prefetch = 0 : i64, scratch_operands = 0 : i64, tpu.core_type = #tpu.core_type<tc>, window_params = [{transform_indices = @transform_0, window_bounds = array<i64: 1, 576, 1>}, {transform_indices = @transform_1, window_bounds = array<i64: 1, 5760, 1>}, {transform_indices = @transform_2, window_bounds = array<i64: 2, 576, 16>}, {pipeline_mode = #tpu.pipeline_mode<synchronous>, transform_indices = @transform_3, window_bounds = array<i64: 1, 8>}, {pipeline_mode = #tpu.pipeline_mode<synchronous>, transform_indices = @transform_4, window_bounds = array<i64: 1, 8>}, {pipeline_mode = #tpu.pipeline_mode<synchronous>, transform_indices = @transform_5, window_bounds = array<i64: 8, 8>}, {pipeline_mode = #tpu.pipeline_mode<synchronous>, transform_indices = @transform_6, window_bounds = array<i64: 1, 8>}, {pipeline_mode = #tpu.pipeline_mode<synchronous>, transform_indices = @transform_7, window_bounds = array<i64: 8, 8>}, {pipeline_mode = #tpu.pipeline_mode<synchronous>, transform_indices = @transform_8, window_bounds = array<i64: 1, 8>}, {pipeline_mode = #tpu.pipeline_mode<synchronous>, transform_indices = @transform_9, window_bounds = array<i64: 8, 8>}, {pipeline_mode = #tpu.pipeline_mode<synchronous>, transform_indices = @transform_10, window_bounds = array<i64: 1, 8>}, {pipeline_mode = #tpu.pipeline_mode<synchronous>, transform_indices = @transform_11, window_bounds = array<i64: 8, 8>}, {pipeline_mode = #tpu.pipeline_mode<synchronous>, transform_indices = @transform_12, window_bounds = array<i64: 1, 8>}, {pipeline_mode = #tpu.pipeline_mode<synchronous>, transform_indices = @transform_13, window_bounds = array<i64: 1, 8>}, {pipeline_mode = #tpu.pipeline_mode<synchronous>, transform_indices = @transform_14, window_bounds = array<i64: 1, 8>}, {pipeline_mode = #tpu.pipeline_mode<synchronous>, transform_indices = @transform_15, window_bounds = array<i64: 8, 8>}, {pipeline_mode = #tpu.pipeline_mode<synchronous>, transform_indices = @transform_16, window_bounds = array<i64: 1, 8>}, {pipeline_mode = #tpu.pipeline_mode<synchronous>, transform_indices = @transform_17, window_bounds = array<i64: 8, 8>}, {pipeline_mode = #tpu.pipeline_mode<synchronous>, transform_indices = @transform_18, window_bounds = array<i64: 1, 8>}, {pipeline_mode = #tpu.pipeline_mode<synchronous>, transform_indices = @transform_19, window_bounds = array<i64: 1, 8>}, {pipeline_mode = #tpu.pipeline_mode<synchronous>, transform_indices = @transform_20, window_bounds = array<i64: 1, 8>}, {pipeline_mode = #tpu.pipeline_mode<synchronous>, transform_indices = @transform_21, window_bounds = array<i64: 8, 16>}, {transform_indices = @transform_22, window_bounds = array<i64: 576, 16>}]} {
    %get3A = arith.constant 0 : index
    %get3A_0 = arith.constant 0 : index
    %get3A_1 = arith.constant 0 : index
    %get3A_2 = vector.load %arg2[%get3A, %get3A_0, %get3A_1] : memref<1x576x1xf32, #tpu.memory_space<vmem>>, vector<1x576x1xf32>
    %get3A_3 = vector.shape_cast %get3A_2 : vector<1x576x1xf32> to vector<576x1xf32>
    %get3A_4 = arith.constant 0 : index
    %get3A_5 = arith.constant 0 : index
    %get3A_6 = arith.constant 0 : index
    %get3A_7 = vector.load %arg3[%get3A_4, %get3A_5, %get3A_6] : memref<1x5760x1xf32, #tpu.memory_space<vmem>>, vector<1x5760x1xf32>
    %get3A_8 = vector.shape_cast %get3A_7 : vector<1x5760x1xf32> to vector<5760x1xf32>
    %get3A_9 = arith.constant 0 : index
    %get3A_10 = arith.constant 0 : index
    %get3A_11 = vector.load %arg5[%get3A_9, %get3A_10] : memref<1x8xf32, #tpu.memory_space<vmem>>, vector<1x8xf32>
    %mul3A = vector.broadcast %get3A_3 : vector<576x1xf32> to vector<576x8xf32>
    %mul3A_12 = vector.broadcast %get3A_11 : vector<1x8xf32> to vector<576x8xf32>
    %mul3A_13 = arith.mulf %mul3A, %mul3A_12 : vector<576x8xf32>
    %get3A_14 = arith.constant 0 : index
    %get3A_15 = arith.constant 0 : index
    %get3A_16 = vector.load %arg6[%get3A_14, %get3A_15] : memref<1x8xf32, #tpu.memory_space<vmem>>, vector<1x8xf32>
    %add3A = vector.broadcast %get3A_16 : vector<1x8xf32> to vector<576x8xf32>
    %add3A_17 = arith.addf %mul3A_13, %add3A : vector<576x8xf32>
    %get3A_18 = arith.constant 0 : index
    %get3A_19 = arith.constant 0 : index
    %get3A_20 = vector.load %arg5[%get3A_18, %get3A_19] : memref<1x8xf32, #tpu.memory_space<vmem>>, vector<1x8xf32>
    %mul3A_21 = vector.broadcast %get3A_8 : vector<5760x1xf32> to vector<5760x8xf32>
    %mul3A_22 = vector.broadcast %get3A_20 : vector<1x8xf32> to vector<5760x8xf32>
    %mul3A_23 = arith.mulf %mul3A_21, %mul3A_22 : vector<5760x8xf32>
    %get3A_24 = arith.constant 0 : index
    %get3A_25 = arith.constant 0 : index
    %get3A_26 = vector.load %arg6[%get3A_24, %get3A_25] : memref<1x8xf32, #tpu.memory_space<vmem>>, vector<1x8xf32>
    %add3A_27 = vector.broadcast %get3A_26 : vector<1x8xf32> to vector<5760x8xf32>
    %add3A_28 = arith.addf %mul3A_23, %add3A_27 : vector<5760x8xf32>
    %get3A_29 = arith.constant 0 : index
    %get3A_30 = arith.constant 0 : index
    %get3A_31 = vector.load %arg7[%get3A_29, %get3A_30] : memref<8x8xf32, #tpu.memory_space<vmem>>, vector<8x8xf32>
    %dot_general3A = arith.constant dense<0.000000e+00> : vector<576x8xf32>
    %dot_general3A_32 = tpu.matmul %add3A_17, %get3A_31, %dot_general3A {dimension_numbers = #tpu.dot_dimension_numbers<[1], [0], [0], [1], [0, 0, 1, 1], [], []>, transpose_lhs_hint = false} : vector<576x8xf32>, vector<8x8xf32>, vector<576x8xf32> -> vector<576x8xf32>
    %get3A_33 = arith.constant 0 : index
    %get3A_34 = arith.constant 0 : index
    %get3A_35 = vector.load %arg8[%get3A_33, %get3A_34] : memref<1x8xf32, #tpu.memory_space<vmem>>, vector<1x8xf32>
    %add3A_36 = vector.broadcast %get3A_35 : vector<1x8xf32> to vector<576x8xf32>
    %add3A_37 = arith.addf %dot_general3A_32, %add3A_36 : vector<576x8xf32>
    %sqrt3A = arith.constant 8.000000e+00 : f32
    %sqrt3A_38 = math.sqrt %sqrt3A : f32
    %div3A = arith.constant 1.000000e+00 : f32
    %div3A_39 = arith.divf %div3A, %sqrt3A_38 : f32
    %mul3A_40 = vector.broadcast %div3A_39 : f32 to vector<576x8xf32>
    %mul3A_41 = arith.mulf %add3A_37, %mul3A_40 : vector<576x8xf32>
    %get3A_42 = arith.constant 0 : index
    %get3A_43 = arith.constant 0 : index
    %get3A_44 = vector.load %arg9[%get3A_42, %get3A_43] : memref<8x8xf32, #tpu.memory_space<vmem>>, vector<8x8xf32>
    %dot_general3A_45 = arith.constant dense<0.000000e+00> : vector<5760x8xf32>
    %dot_general3A_46 = tpu.matmul %add3A_28, %get3A_44, %dot_general3A_45 {dimension_numbers = #tpu.dot_dimension_numbers<[1], [0], [0], [1], [0, 0, 1, 1], [], []>, transpose_lhs_hint = false} : vector<5760x8xf32>, vector<8x8xf32>, vector<5760x8xf32> -> vector<5760x8xf32>
    %get3A_47 = arith.constant 0 : index
    %get3A_48 = arith.constant 0 : index
    %get3A_49 = vector.load %arg10[%get3A_47, %get3A_48] : memref<1x8xf32, #tpu.memory_space<vmem>>, vector<1x8xf32>
    %add3A_50 = vector.broadcast %get3A_49 : vector<1x8xf32> to vector<5760x8xf32>
    %add3A_51 = arith.addf %dot_general3A_46, %add3A_50 : vector<5760x8xf32>
    %get3A_52 = arith.constant 0 : index
    %get3A_53 = arith.constant 0 : index
    %get3A_54 = vector.load %arg11[%get3A_52, %get3A_53] : memref<8x8xf32, #tpu.memory_space<vmem>>, vector<8x8xf32>
    %dot_general3A_55 = arith.constant dense<0.000000e+00> : vector<5760x8xf32>
    %dot_general3A_56 = tpu.matmul %add3A_28, %get3A_54, %dot_general3A_55 {dimension_numbers = #tpu.dot_dimension_numbers<[1], [0], [0], [1], [0, 0, 1, 1], [], []>, transpose_lhs_hint = false} : vector<5760x8xf32>, vector<8x8xf32>, vector<5760x8xf32> -> vector<5760x8xf32>
    %get3A_57 = arith.constant 0 : index
    %get3A_58 = arith.constant 0 : index
    %get3A_59 = vector.load %arg12[%get3A_57, %get3A_58] : memref<1x8xf32, #tpu.memory_space<vmem>>, vector<1x8xf32>
    %add3A_60 = vector.broadcast %get3A_59 : vector<1x8xf32> to vector<5760x8xf32>
    %add3A_61 = arith.addf %dot_general3A_56, %add3A_60 : vector<5760x8xf32>
    %dot_general3A_62 = arith.constant dense<0.000000e+00> : vector<576x5760xf32>
    %dot_general3A_63 = tpu.matmul %mul3A_41, %add3A_51, %dot_general3A_62 {dimension_numbers = #tpu.dot_dimension_numbers<[1], [1], [0], [0], [0, 0, 1, 0], [], []>, transpose_lhs_hint = false} : vector<576x8xf32>, vector<5760x8xf32>, vector<576x5760xf32> -> vector<576x5760xf32>
    %iota3A = tpu.iota {dimensions = array<i32: 1>} : vector<576x5760xi32>
    %lt3A = arith.constant 5724 : i32
    %lt3A_64 = vector.broadcast %lt3A : i32 to vector<576x5760xi32>
    %lt3A_65 = arith.cmpi slt, %iota3A, %lt3A_64 : vector<576x5760xi32>
    %jit3A = arith.constant -1.000000e+30 : f32
    %broadcast_in_dim3A = vector.broadcast %jit3A : f32 to vector<576x5760xf32>
    %select_n3A = arith.select %lt3A_65, %dot_general3A_63, %broadcast_in_dim3A : vector<576x5760xi1>, vector<576x5760xf32>
    %exp3A = math.exp %select_n3A : vector<576x5760xf32>
    %reduce_sum3A = arith.constant dense<0.000000e+00> : vector<576xf32>
    %reduce_sum3A_66 = vector.multi_reduction <add>, %exp3A, %reduce_sum3A [1] : vector<576x5760xf32> to vector<576xf32>
    %broadcast_in_dim3A_67 = vector.shape_cast %reduce_sum3A_66 : vector<576xf32> to vector<576x1xf32>
    %div3A_68 = arith.constant 1.000000e+00 : f32
    %div3A_69 = vector.broadcast %div3A_68 : f32 to vector<576x1xf32>
    %div3A_70 = arith.divf %div3A_69, %broadcast_in_dim3A_67 : vector<576x1xf32>
    %dot_general3A_71 = arith.constant dense<0.000000e+00> : vector<576x8xf32>
    %dot_general3A_72 = tpu.matmul %exp3A, %add3A_61, %dot_general3A_71 {dimension_numbers = #tpu.dot_dimension_numbers<[1], [0], [0], [1], [0, 0, 1, 1], [], []>, transpose_lhs_hint = false} : vector<576x5760xf32>, vector<5760x8xf32>, vector<576x8xf32> -> vector<576x8xf32>
    %mul3A_73 = vector.broadcast %div3A_70 : vector<576x1xf32> to vector<576x8xf32>
    %mul3A_74 = arith.mulf %dot_general3A_72, %mul3A_73 : vector<576x8xf32>
    %get3A_75 = arith.constant 0 : index
    %get3A_76 = arith.constant 0 : index
    %get3A_77 = vector.load %arg13[%get3A_75, %get3A_76] : memref<8x8xf32, #tpu.memory_space<vmem>>, vector<8x8xf32>
    %dot_general3A_78 = arith.constant dense<0.000000e+00> : vector<576x8xf32>
    %dot_general3A_79 = tpu.matmul %mul3A_74, %get3A_77, %dot_general3A_78 {dimension_numbers = #tpu.dot_dimension_numbers<[1], [0], [0], [1], [0, 0, 1, 1], [], []>, transpose_lhs_hint = false} : vector<576x8xf32>, vector<8x8xf32>, vector<576x8xf32> -> vector<576x8xf32>
    %get3A_80 = arith.constant 0 : index
    %get3A_81 = arith.constant 0 : index
    %get3A_82 = vector.load %arg14[%get3A_80, %get3A_81] : memref<1x8xf32, #tpu.memory_space<vmem>>, vector<1x8xf32>
    %add3A_83 = vector.broadcast %get3A_82 : vector<1x8xf32> to vector<576x8xf32>
    %add3A_84 = arith.addf %dot_general3A_79, %add3A_83 : vector<576x8xf32>
    %add3A_85 = arith.addf %add3A_17, %add3A_84 : vector<576x8xf32>
    %get3A_86 = arith.constant 0 : index
    %get3A_87 = arith.constant 0 : index
    %get3A_88 = vector.load %arg15[%get3A_86, %get3A_87] : memref<1x8xf32, #tpu.memory_space<vmem>>, vector<1x8xf32>
    %get3A_89 = arith.constant 0 : index
    %get3A_90 = arith.constant 0 : index
    %get3A_91 = vector.load %arg16[%get3A_89, %get3A_90] : memref<1x8xf32, #tpu.memory_space<vmem>>, vector<1x8xf32>
    %reduce_sum3A_92 = arith.constant dense<0.000000e+00> : vector<576xf32>
    %reduce_sum3A_93 = vector.multi_reduction <add>, %add3A_85, %reduce_sum3A_92 [1] : vector<576x8xf32> to vector<576xf32>
    %broadcast_in_dim3A_94 = vector.shape_cast %reduce_sum3A_93 : vector<576xf32> to vector<576x1xf32>
    %div3A_95 = arith.constant 8.000000e+00 : f32
    %div3A_96 = vector.broadcast %div3A_95 : f32 to vector<576x1xf32>
    %div3A_97 = arith.divf %broadcast_in_dim3A_94, %div3A_96 : vector<576x1xf32>
    %sub3A = vector.broadcast %div3A_97 : vector<576x1xf32> to vector<576x8xf32>
    %sub3A_98 = arith.subf %add3A_85, %sub3A : vector<576x8xf32>
    %integer_pow3A = arith.mulf %sub3A_98, %sub3A_98 : vector<576x8xf32>
    %reduce_sum3A_99 = arith.constant dense<0.000000e+00> : vector<576xf32>
    %reduce_sum3A_100 = vector.multi_reduction <add>, %integer_pow3A, %reduce_sum3A_99 [1] : vector<576x8xf32> to vector<576xf32>
    %broadcast_in_dim3A_101 = vector.shape_cast %reduce_sum3A_100 : vector<576xf32> to vector<576x1xf32>
    %div3A_102 = arith.constant 8.000000e+00 : f32
    %div3A_103 = vector.broadcast %div3A_102 : f32 to vector<576x1xf32>
    %div3A_104 = arith.divf %broadcast_in_dim3A_101, %div3A_103 : vector<576x1xf32>
    %sub3A_105 = vector.broadcast %div3A_97 : vector<576x1xf32> to vector<576x8xf32>
    %sub3A_106 = arith.subf %add3A_85, %sub3A_105 : vector<576x8xf32>
    %add3A_107 = arith.constant 9.99999974E-6 : f32
    %add3A_108 = vector.broadcast %add3A_107 : f32 to vector<576x1xf32>
    %add3A_109 = arith.addf %div3A_104, %add3A_108 : vector<576x1xf32>
    %rsqrt3A = math.rsqrt %add3A_109 : vector<576x1xf32>
    %mul3A_110 = vector.broadcast %rsqrt3A : vector<576x1xf32> to vector<576x8xf32>
    %mul3A_111 = arith.mulf %sub3A_106, %mul3A_110 : vector<576x8xf32>
    %mul3A_112 = vector.broadcast %get3A_88 : vector<1x8xf32> to vector<576x8xf32>
    %mul3A_113 = arith.mulf %mul3A_111, %mul3A_112 : vector<576x8xf32>
    %add3A_114 = vector.broadcast %get3A_91 : vector<1x8xf32> to vector<576x8xf32>
    %add3A_115 = arith.addf %mul3A_113, %add3A_114 : vector<576x8xf32>
    %get3A_116 = arith.constant 0 : index
    %get3A_117 = arith.constant 0 : index
    %get3A_118 = vector.load %arg17[%get3A_116, %get3A_117] : memref<8x8xf32, #tpu.memory_space<vmem>>, vector<8x8xf32>
    %dot_general3A_119 = arith.constant dense<0.000000e+00> : vector<576x8xf32>
    %dot_general3A_120 = tpu.matmul %add3A_115, %get3A_118, %dot_general3A_119 {dimension_numbers = #tpu.dot_dimension_numbers<[1], [0], [0], [1], [0, 0, 1, 1], [], []>, transpose_lhs_hint = false} : vector<576x8xf32>, vector<8x8xf32>, vector<576x8xf32> -> vector<576x8xf32>
    %get3A_121 = arith.constant 0 : index
    %get3A_122 = arith.constant 0 : index
    %get3A_123 = vector.load %arg18[%get3A_121, %get3A_122] : memref<1x8xf32, #tpu.memory_space<vmem>>, vector<1x8xf32>
    %add3A_124 = vector.broadcast %get3A_123 : vector<1x8xf32> to vector<576x8xf32>
    %add3A_125 = arith.addf %dot_general3A_120, %add3A_124 : vector<576x8xf32>
    %max3A = arith.constant 0.000000e+00 : f32
    %max3A_126 = vector.broadcast %max3A : f32 to vector<576x8xf32>
    %max3A_127 = arith.maximumf %add3A_125, %max3A_126 : vector<576x8xf32>
    %get3A_128 = arith.constant 0 : index
    %get3A_129 = arith.constant 0 : index
    %get3A_130 = vector.load %arg19[%get3A_128, %get3A_129] : memref<8x8xf32, #tpu.memory_space<vmem>>, vector<8x8xf32>
    %dot_general3A_131 = arith.constant dense<0.000000e+00> : vector<576x8xf32>
    %dot_general3A_132 = tpu.matmul %max3A_127, %get3A_130, %dot_general3A_131 {dimension_numbers = #tpu.dot_dimension_numbers<[1], [0], [0], [1], [0, 0, 1, 1], [], []>, transpose_lhs_hint = false} : vector<576x8xf32>, vector<8x8xf32>, vector<576x8xf32> -> vector<576x8xf32>
    %get3A_133 = arith.constant 0 : index
    %get3A_134 = arith.constant 0 : index
    %get3A_135 = vector.load %arg20[%get3A_133, %get3A_134] : memref<1x8xf32, #tpu.memory_space<vmem>>, vector<1x8xf32>
    %add3A_136 = vector.broadcast %get3A_135 : vector<1x8xf32> to vector<576x8xf32>
    %add3A_137 = arith.addf %dot_general3A_132, %add3A_136 : vector<576x8xf32>
    %add3A_138 = arith.addf %add3A_115, %add3A_137 : vector<576x8xf32>
    %get3A_139 = arith.constant 0 : index
    %get3A_140 = arith.constant 0 : index
    %get3A_141 = vector.load %arg21[%get3A_139, %get3A_140] : memref<1x8xf32, #tpu.memory_space<vmem>>, vector<1x8xf32>
    %get3A_142 = arith.constant 0 : index
    %get3A_143 = arith.constant 0 : index
    %get3A_144 = vector.load %arg22[%get3A_142, %get3A_143] : memref<1x8xf32, #tpu.memory_space<vmem>>, vector<1x8xf32>
    %reduce_sum3A_145 = arith.constant dense<0.000000e+00> : vector<576xf32>
    %reduce_sum3A_146 = vector.multi_reduction <add>, %add3A_138, %reduce_sum3A_145 [1] : vector<576x8xf32> to vector<576xf32>
    %broadcast_in_dim3A_147 = vector.shape_cast %reduce_sum3A_146 : vector<576xf32> to vector<576x1xf32>
    %div3A_148 = arith.constant 8.000000e+00 : f32
    %div3A_149 = vector.broadcast %div3A_148 : f32 to vector<576x1xf32>
    %div3A_150 = arith.divf %broadcast_in_dim3A_147, %div3A_149 : vector<576x1xf32>
    %sub3A_151 = vector.broadcast %div3A_150 : vector<576x1xf32> to vector<576x8xf32>
    %sub3A_152 = arith.subf %add3A_138, %sub3A_151 : vector<576x8xf32>
    %integer_pow3A_153 = arith.mulf %sub3A_152, %sub3A_152 : vector<576x8xf32>
    %reduce_sum3A_154 = arith.constant dense<0.000000e+00> : vector<576xf32>
    %reduce_sum3A_155 = vector.multi_reduction <add>, %integer_pow3A_153, %reduce_sum3A_154 [1] : vector<576x8xf32> to vector<576xf32>
    %broadcast_in_dim3A_156 = vector.shape_cast %reduce_sum3A_155 : vector<576xf32> to vector<576x1xf32>
    %div3A_157 = arith.constant 8.000000e+00 : f32
    %div3A_158 = vector.broadcast %div3A_157 : f32 to vector<576x1xf32>
    %div3A_159 = arith.divf %broadcast_in_dim3A_156, %div3A_158 : vector<576x1xf32>
    %sub3A_160 = vector.broadcast %div3A_150 : vector<576x1xf32> to vector<576x8xf32>
    %sub3A_161 = arith.subf %add3A_138, %sub3A_160 : vector<576x8xf32>
    %add3A_162 = arith.constant 9.99999974E-6 : f32
    %add3A_163 = vector.broadcast %add3A_162 : f32 to vector<576x1xf32>
    %add3A_164 = arith.addf %div3A_159, %add3A_163 : vector<576x1xf32>
    %rsqrt3A_165 = math.rsqrt %add3A_164 : vector<576x1xf32>
    %mul3A_166 = vector.broadcast %rsqrt3A_165 : vector<576x1xf32> to vector<576x8xf32>
    %mul3A_167 = arith.mulf %sub3A_161, %mul3A_166 : vector<576x8xf32>
    %mul3A_168 = vector.broadcast %get3A_141 : vector<1x8xf32> to vector<576x8xf32>
    %mul3A_169 = arith.mulf %mul3A_167, %mul3A_168 : vector<576x8xf32>
    %add3A_170 = vector.broadcast %get3A_144 : vector<1x8xf32> to vector<576x8xf32>
    %add3A_171 = arith.addf %mul3A_169, %add3A_170 : vector<576x8xf32>
    %get3A_172 = arith.constant 0 : index
    %get3A_173 = arith.constant 0 : index
    %get3A_174 = arith.constant 0 : index
    %get3A_175 = vector.load %arg4[%get3A_172, %get3A_173, %get3A_174] : memref<2x576x16xf32, #tpu.memory_space<vmem>>, vector<2x576x16xf32>
    %slice3A = vector.extract_strided_slice %get3A_175 {offsets = [0, 0, 0], sizes = [1, 576, 1], strides = [1, 1, 1]} : vector<2x576x16xf32> to vector<1x576x1xf32>
    %squeeze3A = vector.shape_cast %slice3A : vector<1x576x1xf32> to vector<576x1xf32>
    %slice3A_176 = vector.extract_strided_slice %get3A_175 {offsets = [1, 0, 0], sizes = [1, 576, 1], strides = [1, 1, 1]} : vector<2x576x16xf32> to vector<1x576x1xf32>
    %squeeze3A_177 = vector.shape_cast %slice3A_176 : vector<1x576x1xf32> to vector<576x1xf32>
    %add3A_178 = arith.addf %squeeze3A, %squeeze3A_177 : vector<576x1xf32>
    %add3A_179 = arith.constant 1.000000e+00 : f32
    %add3A_180 = vector.broadcast %add3A_179 : f32 to vector<576x1xf32>
    %add3A_181 = arith.addf %add3A_178, %add3A_180 : vector<576x1xf32>
    %rsqrt3A_182 = math.rsqrt %add3A_181 : vector<576x1xf32>
    %get3A_183 = arith.constant 0 : index
    %get3A_184 = arith.constant 0 : index
    %get3A_185 = vector.load %arg23[%get3A_183, %get3A_184] : memref<8x16xf32, #tpu.memory_space<vmem>>, vector<8x16xf32>
    %dot_general3A_186 = arith.constant dense<0.000000e+00> : vector<576x16xf32>
    %dot_general3A_187 = tpu.matmul %add3A_171, %get3A_185, %dot_general3A_186 {dimension_numbers = #tpu.dot_dimension_numbers<[1], [0], [0], [1], [0, 0, 1, 1], [], []>, transpose_lhs_hint = false} : vector<576x8xf32>, vector<8x16xf32>, vector<576x16xf32> -> vector<576x16xf32>
    %mul3A_188 = vector.broadcast %rsqrt3A_182 : vector<576x1xf32> to vector<576x16xf32>
    %mul3A_189 = arith.mulf %mul3A_188, %dot_general3A_187 : vector<576x16xf32>
    %swap3A = arith.constant 0 : index
    %swap3A_190 = arith.constant 0 : index
    %swap3A_191 = vector.load %arg24[%swap3A, %swap3A_190] : memref<576x16xf32, #tpu.memory_space<vmem>>, vector<576x16xf32>
    tpu.vector_store %arg24[%swap3A, %swap3A_190], %mul3A_189 {strides = array<i32>} : memref<576x16xf32, #tpu.memory_space<vmem>>, vector<576x16xf32>,
    return
  }
  func.func @transform_0(%arg0: i32, %arg1: i32) -> (i32, i32, i32) {
    %c0_i32 = arith.constant 0 : i32
    %c0_i32_0 = arith.constant 0 : i32
    return %arg0, %arg1, %c0_i32 : i32, i32, i32
  }
  func.func @transform_1(%arg0: i32, %arg1: i32) -> (i32, i32, i32) {
    %c0_i32 = arith.constant 0 : i32
    %c0_i32_0 = arith.constant 0 : i32
    %c0_i32_1 = arith.constant 0 : i32
    return %arg0, %c0_i32, %c0_i32_0 : i32, i32, i32
  }
  func.func @transform_2(%arg0: i32, %arg1: i32) -> (i32, i32, i32) {
    %c0_i32 = arith.constant 0 : i32
    %c0_i32_0 = arith.constant 0 : i32
    %c0_i32_1 = arith.constant 0 : i32
    return %c0_i32, %arg1, %c0_i32_0 : i32, i32, i32
  }
  func.func @transform_3(%arg0: i32, %arg1: i32) -> (i32, i32) {
    %c0_i32 = arith.constant 0 : i32
    %c0_i32_0 = arith.constant 0 : i32
    %c0_i32_1 = arith.constant 0 : i32
    return %c0_i32, %c0_i32_0 : i32, i32
  }
  func.func @transform_4(%arg0: i32, %arg1: i32) -> (i32, i32) {
    %c0_i32 = arith.constant 0 : i32
    %c0_i32_0 = arith.constant 0 : i32
    %c0_i32_1 = arith.constant 0 : i32
    return %c0_i32, %c0_i32_0 : i32, i32
  }
  func.func @transform_5(%arg0: i32, %arg1: i32) -> (i32, i32) {
    %c0_i32 = arith.constant 0 : i32
    %c0_i32_0 = arith.constant 0 : i32
    %c0_i32_1 = arith.constant 0 : i32
    return %c0_i32, %c0_i32_0 : i32, i32
  }
  func.func @transform_6(%arg0: i32, %arg1: i32) -> (i32, i32) {
    %c0_i32 = arith.constant 0 : i32
    %c0_i32_0 = arith.constant 0 : i32
    %c0_i32_1 = arith.constant 0 : i32
    return %c0_i32, %c0_i32_0 : i32, i32
  }
  func.func @transform_7(%arg0: i32, %arg1: i32) -> (i32, i32) {
    %c0_i32 = arith.constant 0 : i32
    %c0_i32_0 = arith.constant 0 : i32
    %c0_i32_1 = arith.constant 0 : i32
    return %c0_i32, %c0_i32_0 : i32, i32
  }
  func.func @transform_8(%arg0: i32, %arg1: i32) -> (i32, i32) {
    %c0_i32 = arith.constant 0 : i32
    %c0_i32_0 = arith.constant 0 : i32
    %c0_i32_1 = arith.constant 0 : i32
    return %c0_i32, %c0_i32_0 : i32, i32
  }
  func.func @transform_9(%arg0: i32, %arg1: i32) -> (i32, i32) {
    %c0_i32 = arith.constant 0 : i32
    %c0_i32_0 = arith.constant 0 : i32
    %c0_i32_1 = arith.constant 0 : i32
    return %c0_i32, %c0_i32_0 : i32, i32
  }
  func.func @transform_10(%arg0: i32, %arg1: i32) -> (i32, i32) {
    %c0_i32 = arith.constant 0 : i32
    %c0_i32_0 = arith.constant 0 : i32
    %c0_i32_1 = arith.constant 0 : i32
    return %c0_i32, %c0_i32_0 : i32, i32
  }
  func.func @transform_11(%arg0: i32, %arg1: i32) -> (i32, i32) {
    %c0_i32 = arith.constant 0 : i32
    %c0_i32_0 = arith.constant 0 : i32
    %c0_i32_1 = arith.constant 0 : i32
    return %c0_i32, %c0_i32_0 : i32, i32
  }
  func.func @transform_12(%arg0: i32, %arg1: i32) -> (i32, i32) {
    %c0_i32 = arith.constant 0 : i32
    %c0_i32_0 = arith.constant 0 : i32
    %c0_i32_1 = arith.constant 0 : i32
    return %c0_i32, %c0_i32_0 : i32, i32
  }
  func.func @transform_13(%arg0: i32, %arg1: i32) -> (i32, i32) {
    %c0_i32 = arith.constant 0 : i32
    %c0_i32_0 = arith.constant 0 : i32
    %c0_i32_1 = arith.constant 0 : i32
    return %c0_i32, %c0_i32_0 : i32, i32
  }
  func.func @transform_14(%arg0: i32, %arg1: i32) -> (i32, i32) {
    %c0_i32 = arith.constant 0 : i32
    %c0_i32_0 = arith.constant 0 : i32
    %c0_i32_1 = arith.constant 0 : i32
    return %c0_i32, %c0_i32_0 : i32, i32
  }
  func.func @transform_15(%arg0: i32, %arg1: i32) -> (i32, i32) {
    %c0_i32 = arith.constant 0 : i32
    %c0_i32_0 = arith.constant 0 : i32
    %c0_i32_1 = arith.constant 0 : i32
    return %c0_i32, %c0_i32_0 : i32, i32
  }
  func.func @transform_16(%arg0: i32, %arg1: i32) -> (i32, i32) {
    %c0_i32 = arith.constant 0 : i32
    %c0_i32_0 = arith.constant 0 : i32
    %c0_i32_1 = arith.constant 0 : i32
    return %c0_i32, %c0_i32_0 : i32, i32
  }
  func.func @transform_17(%arg0: i32, %arg1: i32) -> (i32, i32) {
    %c0_i32 = arith.constant 0 : i32
    %c0_i32_0 = arith.constant 0 : i32
    %c0_i32_1 = arith.constant 0 : i32
    return %c0_i32, %c0_i32_0 : i32, i32
  }
  func.func @transform_18(%arg0: i32, %arg1: i32) -> (i32, i32) {
    %c0_i32 = arith.constant 0 : i32
    %c0_i32_0 = arith.constant 0 : i32
    %c0_i32_1 = arith.constant 0 : i32
    return %c0_i32, %c0_i32_0 : i32, i32
  }
  func.func @transform_19(%arg0: i32, %arg1: i32) -> (i32, i32) {
    %c0_i32 = arith.constant 0 : i32
    %c0_i32_0 = arith.constant 0 : i32
    %c0_i32_1 = arith.constant 0 : i32
    return %c0_i32, %c0_i32_0 : i32, i32
  }
  func.func @transform_20(%arg0: i32, %arg1: i32) -> (i32, i32) {
    %c0_i32 = arith.constant 0 : i32
    %c0_i32_0 = arith.constant 0 : i32
    %c0_i32_1 = arith.constant 0 : i32
    return %c0_i32, %c0_i32_0 : i32, i32
  }
  func.func @transform_21(%arg0: i32, %arg1: i32) -> (i32, i32) {
    %c0_i32 = arith.constant 0 : i32
    %c0_i32_0 = arith.constant 0 : i32
    %c0_i32_1 = arith.constant 0 : i32
    return %c0_i32, %c0_i32_0 : i32, i32
  }
  func.func @transform_22(%arg0: i32, %arg1: i32) -> (i32, i32) {
    %mul3A = arith.constant 10 : i32
    %mul3A_0 = arith.muli %arg0, %mul3A : i32
    %add3A = arith.addi %mul3A_0, %arg1 : i32
    %c0_i32 = arith.constant 0 : i32
    %c0_i32_1 = arith.constant 0 : i32
    return %add3A, %c0_i32 : i32, i32
  }
}

module attributes {stable_mosaic.version = 14 : i64} {
  func.func @_post1_body(%arg0: i32, %arg1: memref<2x576x16xf32, #tpu.memory_space<vmem>>, %arg2: memref<576x16xf32, #tpu.memory_space<vmem>>, %arg3: memref<2x576x16xf32, #tpu.memory_space<vmem>>, %arg4: memref<1x16xf32, #tpu.memory_space<vmem>>, %arg5: memref<16x16xf32, #tpu.memory_space<vmem>>, %arg6: memref<576x16xf32, #tpu.memory_space<vmem>>) attributes {dimension_semantics = [#tpu.dimension_semantics<arbitrary>], iteration_bounds = array<i64: 20>, scalar_prefetch = 0 : i64, scratch_operands = 0 : i64, tpu.core_type = #tpu.core_type<tc>, window_params = [{transform_indices = @transform_0, window_bounds = array<i64: 2, 576, 16>}, {transform_indices = @transform_1, window_bounds = array<i64: 576, 16>}, {transform_indices = @transform_2, window_bounds = array<i64: 2, 576, 16>}, {pipeline_mode = #tpu.pipeline_mode<synchronous>, transform_indices = @transform_3, window_bounds = array<i64: 1, 16>}, {pipeline_mode = #tpu.pipeline_mode<synchronous>, transform_indices = @transform_4, window_bounds = array<i64: 16, 16>}, {transform_indices = @transform_5, window_bounds = array<i64: 576, 16>}]} {
    %get3A = arith.constant 0 : index
    %get3A_0 = arith.constant 0 : index
    %get3A_1 = arith.constant 0 : index
    %get3A_2 = vector.load %arg1[%get3A, %get3A_0, %get3A_1] : memref<2x576x16xf32, #tpu.memory_space<vmem>>, vector<1x576x16xf32>
    %get3A_3 = vector.shape_cast %get3A_2 : vector<1x576x16xf32> to vector<576x16xf32>
    %get3A_4 = arith.constant 1 : index
    %get3A_5 = arith.constant 0 : index
    %get3A_6 = arith.constant 0 : index
    %get3A_7 = vector.load %arg1[%get3A_4, %get3A_5, %get3A_6] : memref<2x576x16xf32, #tpu.memory_space<vmem>>, vector<1x576x16xf32>
    %get3A_8 = vector.shape_cast %get3A_7 : vector<1x576x16xf32> to vector<576x16xf32>
    %add3A = arith.addf %get3A_3, %get3A_8 : vector<576x16xf32>
    %get3A_9 = arith.constant 0 : index
    %get3A_10 = arith.constant 0 : index
    %get3A_11 = arith.constant 0 : index
    %get3A_12 = vector.load %arg3[%get3A_9, %get3A_10, %get3A_11] : memref<2x576x16xf32, #tpu.memory_space<vmem>>, vector<2x576x16xf32>
    %slice3A = vector.extract_strided_slice %get3A_12 {offsets = [0, 0, 0], sizes = [1, 576, 1], strides = [1, 1, 1]} : vector<2x576x16xf32> to vector<1x576x1xf32>
    %squeeze3A = vector.shape_cast %slice3A : vector<1x576x1xf32> to vector<576x1xf32>
    %slice3A_13 = vector.extract_strided_slice %get3A_12 {offsets = [1, 0, 0], sizes = [1, 576, 1], strides = [1, 1, 1]} : vector<2x576x16xf32> to vector<1x576x1xf32>
    %squeeze3A_14 = vector.shape_cast %slice3A_13 : vector<1x576x1xf32> to vector<576x1xf32>
    %add3A_15 = arith.addf %squeeze3A, %squeeze3A_14 : vector<576x1xf32>
    %add3A_16 = arith.constant 1.000000e+00 : f32
    %add3A_17 = vector.broadcast %add3A_16 : f32 to vector<576x1xf32>
    %add3A_18 = arith.addf %add3A_15, %add3A_17 : vector<576x1xf32>
    %rsqrt3A = math.rsqrt %add3A_18 : vector<576x1xf32>
    %get3A_19 = arith.constant 0 : index
    %get3A_20 = arith.constant 0 : index
    %get3A_21 = vector.load %arg2[%get3A_19, %get3A_20] : memref<576x16xf32, #tpu.memory_space<vmem>>, vector<576x16xf32>
    %add3A_22 = arith.addf %add3A, %get3A_21 : vector<576x16xf32>
    %mul3A = vector.broadcast %rsqrt3A : vector<576x1xf32> to vector<576x16xf32>
    %mul3A_23 = arith.mulf %mul3A, %add3A_22 : vector<576x16xf32>
    %get3A_24 = arith.constant 0 : index
    %get3A_25 = arith.constant 0 : index
    %get3A_26 = vector.load %arg4[%get3A_24, %get3A_25] : memref<1x16xf32, #tpu.memory_space<vmem>>, vector<1x16xf32>
    %add3A_27 = vector.broadcast %get3A_26 : vector<1x16xf32> to vector<576x16xf32>
    %add3A_28 = arith.addf %mul3A_23, %add3A_27 : vector<576x16xf32>
    %max3A = arith.constant 0.000000e+00 : f32
    %max3A_29 = vector.broadcast %max3A : f32 to vector<576x16xf32>
    %max3A_30 = arith.maximumf %add3A_28, %max3A_29 : vector<576x16xf32>
    %get3A_31 = arith.constant 0 : index
    %get3A_32 = arith.constant 0 : index
    %get3A_33 = vector.load %arg5[%get3A_31, %get3A_32] : memref<16x16xf32, #tpu.memory_space<vmem>>, vector<16x16xf32>
    %dot_general3A = arith.constant dense<0.000000e+00> : vector<576x16xf32>
    %dot_general3A_34 = tpu.matmul %max3A_30, %get3A_33, %dot_general3A {dimension_numbers = #tpu.dot_dimension_numbers<[1], [0], [0], [1], [0, 0, 1, 1], [], []>, transpose_lhs_hint = false} : vector<576x16xf32>, vector<16x16xf32>, vector<576x16xf32> -> vector<576x16xf32>
    %mul3A_35 = vector.broadcast %rsqrt3A : vector<576x1xf32> to vector<576x16xf32>
    %mul3A_36 = arith.mulf %mul3A_35, %dot_general3A_34 : vector<576x16xf32>
    %swap3A = arith.constant 0 : index
    %swap3A_37 = arith.constant 0 : index
    %swap3A_38 = vector.load %arg6[%swap3A, %swap3A_37] : memref<576x16xf32, #tpu.memory_space<vmem>>, vector<576x16xf32>
    tpu.vector_store %arg6[%swap3A, %swap3A_37], %mul3A_36 {strides = array<i32>} : memref<576x16xf32, #tpu.memory_space<vmem>>, vector<576x16xf32>,
    return
  }
  func.func @transform_0(%arg0: i32) -> (i32, i32, i32) {
    %c0_i32 = arith.constant 0 : i32
    %c0_i32_0 = arith.constant 0 : i32
    %c0_i32_1 = arith.constant 0 : i32
    return %c0_i32, %arg0, %c0_i32_0 : i32, i32, i32
  }
  func.func @transform_1(%arg0: i32) -> (i32, i32) {
    %c0_i32 = arith.constant 0 : i32
    %c0_i32_0 = arith.constant 0 : i32
    return %arg0, %c0_i32 : i32, i32
  }
  func.func @transform_2(%arg0: i32) -> (i32, i32, i32) {
    %jit3A = arith.constant 10 : i32
    %eq3A = arith.constant 0 : i32
    %eq3A_0 = arith.cmpi eq, %jit3A, %eq3A : i32
    %jit3A_1 = arith.constant 1 : i32
    %select_n3A = arith.select %eq3A_0, %jit3A_1, %jit3A : i32
    %rem3A = arith.remsi %arg0, %select_n3A : i32
    %ne3A = arith.constant 0 : i32
    %ne3A_2 = arith.cmpi ne, %rem3A, %ne3A : i32
    %lt3A = arith.constant 0 : i32
    %lt3A_3 = arith.cmpi slt, %rem3A, %lt3A : i32
    %lt3A_4 = arith.constant 0 : i32
    %lt3A_5 = arith.cmpi slt, %select_n3A, %lt3A_4 : i32
    %ne3A_6 = arith.xori %lt3A_3, %lt3A_5 : i1
    %and3A = arith.andi %ne3A_6, %ne3A_2 : i1
    %add3A = arith.addi %rem3A, %select_n3A : i32
    %select_n3A_7 = arith.select %and3A, %add3A, %rem3A : i32
    %c0_i32 = arith.constant 0 : i32
    %c0_i32_8 = arith.constant 0 : i32
    %c0_i32_9 = arith.constant 0 : i32
    return %c0_i32, %select_n3A_7, %c0_i32_8 : i32, i32, i32
  }
  func.func @transform_3(%arg0: i32) -> (i32, i32) {
    %c0_i32 = arith.constant 0 : i32
    %c0_i32_0 = arith.constant 0 : i32
    %c0_i32_1 = arith.constant 0 : i32
    return %c0_i32, %c0_i32_0 : i32, i32
  }
  func.func @transform_4(%arg0: i32) -> (i32, i32) {
    %c0_i32 = arith.constant 0 : i32
    %c0_i32_0 = arith.constant 0 : i32
    %c0_i32_1 = arith.constant 0 : i32
    return %c0_i32, %c0_i32_0 : i32, i32
  }
  func.func @transform_5(%arg0: i32) -> (i32, i32) {
    %c0_i32 = arith.constant 0 : i32
    %c0_i32_0 = arith.constant 0 : i32
    return %arg0, %c0_i32 : i32, i32
  }
}

module attributes {stable_mosaic.version = 14 : i64} {
  func.func @_post2_body(%arg0: i32, %arg1: memref<2x576x16xf32, #tpu.memory_space<vmem>>, %arg2: memref<576x16xf32, #tpu.memory_space<vmem>>, %arg3: memref<2x576x16xf32, #tpu.memory_space<vmem>>, %arg4: memref<1x16xf32, #tpu.memory_space<vmem>>, %arg5: memref<576x16xf32, #tpu.memory_space<vmem>>) attributes {dimension_semantics = [#tpu.dimension_semantics<arbitrary>], iteration_bounds = array<i64: 20>, scalar_prefetch = 0 : i64, scratch_operands = 0 : i64, tpu.core_type = #tpu.core_type<tc>, window_params = [{transform_indices = @transform_0, window_bounds = array<i64: 2, 576, 16>}, {transform_indices = @transform_1, window_bounds = array<i64: 576, 16>}, {transform_indices = @transform_2, window_bounds = array<i64: 2, 576, 16>}, {pipeline_mode = #tpu.pipeline_mode<synchronous>, transform_indices = @transform_3, window_bounds = array<i64: 1, 16>}, {transform_indices = @transform_4, window_bounds = array<i64: 576, 16>}]} {
    %get3A = arith.constant 0 : index
    %get3A_0 = arith.constant 0 : index
    %get3A_1 = arith.constant 0 : index
    %get3A_2 = vector.load %arg1[%get3A, %get3A_0, %get3A_1] : memref<2x576x16xf32, #tpu.memory_space<vmem>>, vector<1x576x16xf32>
    %get3A_3 = vector.shape_cast %get3A_2 : vector<1x576x16xf32> to vector<576x16xf32>
    %get3A_4 = arith.constant 1 : index
    %get3A_5 = arith.constant 0 : index
    %get3A_6 = arith.constant 0 : index
    %get3A_7 = vector.load %arg1[%get3A_4, %get3A_5, %get3A_6] : memref<2x576x16xf32, #tpu.memory_space<vmem>>, vector<1x576x16xf32>
    %get3A_8 = vector.shape_cast %get3A_7 : vector<1x576x16xf32> to vector<576x16xf32>
    %add3A = arith.addf %get3A_3, %get3A_8 : vector<576x16xf32>
    %get3A_9 = arith.constant 0 : index
    %get3A_10 = arith.constant 0 : index
    %get3A_11 = arith.constant 0 : index
    %get3A_12 = vector.load %arg3[%get3A_9, %get3A_10, %get3A_11] : memref<2x576x16xf32, #tpu.memory_space<vmem>>, vector<2x576x16xf32>
    %slice3A = vector.extract_strided_slice %get3A_12 {offsets = [0, 0, 0], sizes = [1, 576, 1], strides = [1, 1, 1]} : vector<2x576x16xf32> to vector<1x576x1xf32>
    %squeeze3A = vector.shape_cast %slice3A : vector<1x576x1xf32> to vector<576x1xf32>
    %slice3A_13 = vector.extract_strided_slice %get3A_12 {offsets = [1, 0, 0], sizes = [1, 576, 1], strides = [1, 1, 1]} : vector<2x576x16xf32> to vector<1x576x1xf32>
    %squeeze3A_14 = vector.shape_cast %slice3A_13 : vector<1x576x1xf32> to vector<576x1xf32>
    %add3A_15 = arith.addf %squeeze3A, %squeeze3A_14 : vector<576x1xf32>
    %add3A_16 = arith.constant 1.000000e+00 : f32
    %add3A_17 = vector.broadcast %add3A_16 : f32 to vector<576x1xf32>
    %add3A_18 = arith.addf %add3A_15, %add3A_17 : vector<576x1xf32>
    %rsqrt3A = math.rsqrt %add3A_18 : vector<576x1xf32>
    %get3A_19 = arith.constant 0 : index
    %get3A_20 = arith.constant 0 : index
    %get3A_21 = vector.load %arg2[%get3A_19, %get3A_20] : memref<576x16xf32, #tpu.memory_space<vmem>>, vector<576x16xf32>
    %add3A_22 = arith.addf %add3A, %get3A_21 : vector<576x16xf32>
    %mul3A = vector.broadcast %rsqrt3A : vector<576x1xf32> to vector<576x16xf32>
    %mul3A_23 = arith.mulf %mul3A, %add3A_22 : vector<576x16xf32>
    %get3A_24 = arith.constant 0 : index
    %get3A_25 = arith.constant 0 : index
    %get3A_26 = vector.load %arg4[%get3A_24, %get3A_25] : memref<1x16xf32, #tpu.memory_space<vmem>>, vector<1x16xf32>
    %add3A_27 = vector.broadcast %get3A_26 : vector<1x16xf32> to vector<576x16xf32>
    %add3A_28 = arith.addf %mul3A_23, %add3A_27 : vector<576x16xf32>
    %swap3A = arith.constant 0 : index
    %swap3A_29 = arith.constant 0 : index
    %swap3A_30 = vector.load %arg5[%swap3A, %swap3A_29] : memref<576x16xf32, #tpu.memory_space<vmem>>, vector<576x16xf32>
    tpu.vector_store %arg5[%swap3A, %swap3A_29], %add3A_28 {strides = array<i32>} : memref<576x16xf32, #tpu.memory_space<vmem>>, vector<576x16xf32>,
    return
  }
  func.func @transform_0(%arg0: i32) -> (i32, i32, i32) {
    %c0_i32 = arith.constant 0 : i32
    %c0_i32_0 = arith.constant 0 : i32
    %c0_i32_1 = arith.constant 0 : i32
    return %c0_i32, %arg0, %c0_i32_0 : i32, i32, i32
  }
  func.func @transform_1(%arg0: i32) -> (i32, i32) {
    %c0_i32 = arith.constant 0 : i32
    %c0_i32_0 = arith.constant 0 : i32
    return %arg0, %c0_i32 : i32, i32
  }
  func.func @transform_2(%arg0: i32) -> (i32, i32, i32) {
    %jit3A = arith.constant 10 : i32
    %eq3A = arith.constant 0 : i32
    %eq3A_0 = arith.cmpi eq, %jit3A, %eq3A : i32
    %jit3A_1 = arith.constant 1 : i32
    %select_n3A = arith.select %eq3A_0, %jit3A_1, %jit3A : i32
    %rem3A = arith.remsi %arg0, %select_n3A : i32
    %ne3A = arith.constant 0 : i32
    %ne3A_2 = arith.cmpi ne, %rem3A, %ne3A : i32
    %lt3A = arith.constant 0 : i32
    %lt3A_3 = arith.cmpi slt, %rem3A, %lt3A : i32
    %lt3A_4 = arith.constant 0 : i32
    %lt3A_5 = arith.cmpi slt, %select_n3A, %lt3A_4 : i32
    %ne3A_6 = arith.xori %lt3A_3, %lt3A_5 : i1
    %and3A = arith.andi %ne3A_6, %ne3A_2 : i1
    %add3A = arith.addi %rem3A, %select_n3A : i32
    %select_n3A_7 = arith.select %and3A, %add3A, %rem3A : i32
    %c0_i32 = arith.constant 0 : i32
    %c0_i32_8 = arith.constant 0 : i32
    %c0_i32_9 = arith.constant 0 : i32
    return %c0_i32, %select_n3A_7, %c0_i32_8 : i32, i32, i32
  }
  func.func @transform_3(%arg0: i32) -> (i32, i32) {
    %c0_i32 = arith.constant 0 : i32
    %c0_i32_0 = arith.constant 0 : i32
    %c0_i32_1 = arith.constant 0 : i32
    return %c0_i32, %c0_i32_0 : i32, i32
  }
  func.func @transform_4(%arg0: i32) -> (i32, i32) {
    %c0_i32 = arith.constant 0 : i32
    %c0_i32_0 = arith.constant 0 : i32
    return %arg0, %c0_i32 : i32, i32
  }
}

module attributes {stable_mosaic.version = 14 : i64} {
  func.func @_fc_body(%arg0: i32, %arg1: memref<2x22912xf32, #tpu.memory_space<vmem>>, %arg2: memref<22912x32xf32, #tpu.memory_space<vmem>>, %arg3: memref<1x32xf32, #tpu.memory_space<vmem>>, %arg4: memref<2x32xf32, #tpu.memory_space<vmem>>) attributes {dimension_semantics = [#tpu.dimension_semantics<arbitrary>], iteration_bounds = array<i64: 4>, scalar_prefetch = 0 : i64, scratch_operands = 0 : i64, tpu.core_type = #tpu.core_type<tc>, window_params = [{transform_indices = @transform_0, window_bounds = array<i64: 2, 22912>}, {transform_indices = @transform_1, window_bounds = array<i64: 22912, 32>}, {pipeline_mode = #tpu.pipeline_mode<synchronous>, transform_indices = @transform_2, window_bounds = array<i64: 1, 32>}, {pipeline_mode = #tpu.pipeline_mode<synchronous>, transform_indices = @transform_3, window_bounds = array<i64: 2, 32>}]} {
    %eq3A = arith.constant 0 : i32
    %eq3A_0 = arith.cmpi eq, %arg0, %eq3A : i32
    %convert_element_type3A = arith.extui %eq3A_0 : i1 to i32
    %cond3A = arith.constant 0 : i32
    %cond3A_1 = arith.cmpi ne, %convert_element_type3A, %cond3A : i32
    scf.if %cond3A_1 {
      %get3A_13 = arith.constant 0 : index
      %get3A_14 = arith.constant 0 : index
      %get3A_15 = vector.load %arg3[%get3A_13, %get3A_14] : memref<1x32xf32, #tpu.memory_space<vmem>>, vector<1x32xf32>
      %broadcast_in_dim3A = vector.shape_cast %get3A_15 : vector<1x32xf32> to vector<1x32xf32>
      %broadcast_in_dim3A_16 = vector.broadcast %broadcast_in_dim3A : vector<1x32xf32> to vector<2x32xf32>
      %swap3A_17 = arith.constant 0 : index
      %swap3A_18 = arith.constant 0 : index
      %swap3A_19 = vector.load %arg4[%swap3A_17, %swap3A_18] : memref<2x32xf32, #tpu.memory_space<vmem>>, vector<2x32xf32>
      tpu.vector_store %arg4[%swap3A_17, %swap3A_18], %broadcast_in_dim3A_16 {strides = array<i32>} : memref<2x32xf32, #tpu.memory_space<vmem>>, vector<2x32xf32>,
    } else {
    }
    %get3A = arith.constant 0 : index
    %get3A_2 = arith.constant 0 : index
    %get3A_3 = vector.load %arg4[%get3A, %get3A_2] : memref<2x32xf32, #tpu.memory_space<vmem>>, vector<2x32xf32>
    %get3A_4 = arith.constant 0 : index
    %get3A_5 = arith.constant 0 : index
    %get3A_6 = vector.load %arg1[%get3A_4, %get3A_5] : memref<2x22912xf32, #tpu.memory_space<vmem>>, vector<2x22912xf32>
    %get3A_7 = arith.constant 0 : index
    %get3A_8 = arith.constant 0 : index
    %get3A_9 = vector.load %arg2[%get3A_7, %get3A_8] : memref<22912x32xf32, #tpu.memory_space<vmem>>, vector<22912x32xf32>
    %dot_general3A = arith.constant dense<0.000000e+00> : vector<2x32xf32>
    %dot_general3A_10 = tpu.matmul %get3A_6, %get3A_9, %dot_general3A {dimension_numbers = #tpu.dot_dimension_numbers<[1], [0], [0], [1], [0, 0, 1, 1], [], []>, transpose_lhs_hint = false} : vector<2x22912xf32>, vector<22912x32xf32>, vector<2x32xf32> -> vector<2x32xf32>
    %add3A = arith.addf %get3A_3, %dot_general3A_10 : vector<2x32xf32>
    %swap3A = arith.constant 0 : index
    %swap3A_11 = arith.constant 0 : index
    %swap3A_12 = vector.load %arg4[%swap3A, %swap3A_11] : memref<2x32xf32, #tpu.memory_space<vmem>>, vector<2x32xf32>
    tpu.vector_store %arg4[%swap3A, %swap3A_11], %add3A {strides = array<i32>} : memref<2x32xf32, #tpu.memory_space<vmem>>, vector<2x32xf32>,
    return
  }
  func.func @transform_0(%arg0: i32) -> (i32, i32) {
    %c0_i32 = arith.constant 0 : i32
    %c0_i32_0 = arith.constant 0 : i32
    return %c0_i32, %arg0 : i32, i32
  }
  func.func @transform_1(%arg0: i32) -> (i32, i32) {
    %c0_i32 = arith.constant 0 : i32
    %c0_i32_0 = arith.constant 0 : i32
    return %arg0, %c0_i32 : i32, i32
  }
  func.func @transform_2(%arg0: i32) -> (i32, i32) {
    %c0_i32 = arith.constant 0 : i32
    %c0_i32_0 = arith.constant 0 : i32
    %c0_i32_1 = arith.constant 0 : i32
    return %c0_i32, %c0_i32_0 : i32, i32
  }
  func.func @transform_3(%arg0: i32) -> (i32, i32) {
    %c0_i32 = arith.constant 0 : i32
    %c0_i32_0 = arith.constant 0 : i32
    %c0_i32_1 = arith.constant 0 : i32
    return %c0_i32, %c0_i32_0 : i32, i32
  }
}

</mosaic_0001>

<sc_bundles>
// kernel: kernel.12.cloned.1.call-start
scs
__scs_entry_jumppad:
0x0: {  	(pc) =	sbr.rel $0x88, $3  }
0x1: {  	(tag) =	ssettag $0x0;
	lr =	simm.s32 $0x1  }
0x2: {  	[smem:$0x3F87] =	sst lr;
	_ =	strace $0xD0000000  }
0x3: {  	_ = 	snop  }
0x4: {  	_ = 	snop  }
0x5: {  	_ = 	snop  }
0x6: {  	_ = 	snop  }
0x7: {  	_ = 	snop  }
__scs_overlays_trampoline_lowered:
0x8: {  	[smem:$0x3F96] =	sst s0  }
0x9: {  	[smem:$0x3F97] =	sst s1  }
0xa: {  	[smem:$0x3F98] =	sst s2  }
0xb: {  	[smem:$0x3F99] =	sst s3  }
0xc: {  	[smem:$0x3F9A] =	sst s4  }
0xd: {  	[smem:$0x3F9B] =	sst s5  }
0xe: {  	[smem:$0x3F9C] =	sst s6  }
0xf: {  	[smem:$0x3F9D] =	sst s7  }
0x10: {  	[smem:$0x3F9E] =	sst s8  }
0x11: {  	[smem:$0x3F9F] =	sst s9;
	s0 =	simm.s32 @!p0 $0x0  }
0x12: {  	s1 =	sld [smem:$0x3F85];
	s0 =	simm.s32 @p0 $0x1  }
0x13: {  	[smem:$0x3FA0] =	sst s0;
	s0 =	simm.s32 @!p1 $0x0  }
0x14: {  	s2 =	sld [smem:$0x3F84];
	s0 =	simm.s32 @p1 $0x1  }
0x15: {  	[smem:$0x3FA1] =	sst s0;
	s0 =	simm.s32 @!p2 $0x0  }
0x16: {  	s3 =	sld [smem:$0x3FDB];
	s0 =	simm.s32 @p2 $0x1  }
0x17: {  	s4 =	simm.s32 $0x1BF5;
	[smem:$0x3FA3] =	sst s0  }
0x18: {  	s0 =	sld [smem:$0x3F86];
	_ =	swait.ge [sflag:s4], $0x0  }
0x19: {  	s7 =	sld [smem:$0x3F87]  }
0x1a: {  	s8 =	sadd.s32 $0xFFFFE003, lr  }
0x1b: {  	s9 =	sadd.s32 $0xFFFFFEF7, lr;
	s5 =	simm.s32 $0xFFFFFFFF;
	p2 =	slt.u32 s8, $0xFFFFF086  }
0x1c: {  	p1 =	slt.u32 s9, $0xF7A;
	s5 =	simm.s32 @!p2 $0x0  }
0x1d: {  	s5 =	simm.s32 @p1 $0x1;
	p0 =	seq.s32 s7, s2  }
0x1e: {  	s7 =	smul.u32 @!p0 $0xF7A, s2;
	p2 =	seq.s32 @!p0 s5, $0x0  }
0x1f: {  	s9 =	smul.u32 $0xF7A, s1;
	s8 =	simm.s32 @!p0 $0x1BF5;
	p2 =	por !p2, p0  }
0x20: {  	[sflag:s8] =	ssyncset.s32 @!p0 $0xFFFFF086;
	s6 =	sadd.s32 @!p0 s3, s7;
	s7 =	simm.s32 @!p0 $0x108  }
0x21: {  	s3 =	sadd.s32 s3, s9;
	s6 =	sadd.s32 @!p0 $0x88, s6;
	s7 =	simm.s32 @p2 $0x1082  }
0x22: {  	[simem:s7], [sflag:s8] =	dma.local @!p0 [hbm:s6], $0xF7A  }
0x23: {  	s9 =	sor.u32 $0xD0000000, s2;
	s6 =	simm.s32 $0x108;
	_ =	swait.ge @!p0 [sflag:s8], $0x0  }
0x24: {  	s3 =	sadd.s32 $0x88, s3;
	s6 =	simm.s32 @!p1 $0x1082;
	[sflag:s4] =	ssyncset.s32 $0xFFFFF086  }
0x25: {  	[simem:s6], [sflag:s4] =	dma.local [hbm:s3], $0xF7A  }
0x26: {  	[smem:$0x3F87] =	sst s1;
	(tag) =	ssettag s2;
	_ =	strace s9  }
0x27: {  	s1 =	sld [smem:$0x3F97]  }
0x28: {  	s2 =	sld [smem:$0x3F98]  }
0x29: {  	s4 =	sld [smem:$0x3F9A]  }
0x2a: {  	p0 =	seq.s32 s5, $0x0;
	s5 =	sld [smem:$0x3F9B]  }
0x2b: {  	s6 =	sld [smem:$0x3F9C]  }
0x2c: {  	s7 =	sld [smem:$0x3F9D]  }
0x2d: {  	s3 =	simm.s32 $0x108;
	s8 =	sld [smem:$0x3F9E]  }
0x2e: {  	s3 =	simm.s32 @!p0 $0x1082;
	s9 =	sld [smem:$0x3F9F]  }
0x2f: {  	lr =	sadd.s32 s0, s3;
	s0 =	sld [smem:$0x3F96]  }
0x30: {  	s3 =	sld [smem:$0x3F99]  }
0x31: {  	[smem:$0x3FA2] =	sst s10  }
0x32: {  	s10 =	sld [smem:$0x3FA0];
	_ =	sdelay $0x3  }
0x33: {  	p0 =	seq.s32 s10, $0x1;
	s10 =	sld [smem:$0x3FA2];
	_ =	sdelay $0x3  }
0x34: {  	[smem:$0x3FA2] =	sst s10  }
0x35: {  	s10 =	sld [smem:$0x3FA1];
	_ =	sdelay $0x3  }
0x36: {  	p1 =	seq.s32 s10, $0x1;
	s10 =	sld [smem:$0x3FA2];
	_ =	sdelay $0x3  }
0x37: {  	[smem:$0x3FA2] =	sst s10  }
0x38: {  	s10 =	sld [smem:$0x3FA3]  }
0x39: {  	_ = 	snop;
	(pc) =	sbr.ind lr, $3  }
0x3a: {  	_ = 	snop  }
0x3b: {  	_ = 	snop  }
0x3c: {  	p2 =	seq.s32 s10, $0x1;
	s10 =	sld [smem:$0x3FA2]  }
0x3d: {  	_ =	shalt  }
0x3e: {  	_ =	shalt  }
0x3f: {  	_ =	shalt  }
0x40: {  	_ =	shalt  }
0x41: {  	_ =	shalt  }
0x42: {  	_ =	shalt  }
0x43: {  	_ =	shalt  }
0x44: {  	_ =	shalt  }
0x45: {  	_ =	shalt  }
0x46: {  	_ =	shalt  }
0x47: {  	_ =	shalt  }
0x48: {  	_ =	shalt  }
0x49: {  	_ =	shalt  }
0x4a: {  	_ =	shalt  }
0x4b: {  	_ =	shalt  }
0x4c: {  	_ =	shalt  }
0x4d: {  	_ =	shalt  }
0x4e: {  	_ =	shalt  }
0x4f: {  	_ =	shalt  }
0x50: {  	_ =	shalt  }
0x51: {  	_ =	shalt  }
0x52: {  	_ =	shalt  }
0x53: {  	_ =	shalt  }
0x54: {  	_ =	shalt  }
0x55: {  	_ =	shalt  }
0x56: {  	_ =	shalt  }
0x57: {  	_ =	shalt  }
0x58: {  	_ =	shalt  }
0x59: {  	_ =	shalt  }
0x5a: {  	_ =	shalt  }
0x5b: {  	_ =	shalt  }
0x5c: {  	_ =	shalt  }
0x5d: {  	_ =	shalt  }
0x5e: {  	_ =	shalt  }
0x5f: {  	_ =	shalt  }
0x60: {  	_ =	shalt  }
0x61: {  	_ =	shalt  }
0x62: {  	_ =	shalt  }
0x63: {  	_ =	shalt  }
0x64: {  	_ =	shalt  }
0x65: {  	_ =	shalt  }
0x66: {  	_ =	shalt  }
0x67: {  	_ =	shalt  }
0x68: {  	_ =	shalt  }
0x69: {  	_ =	shalt  }
0x6a: {  	_ =	shalt  }
0x6b: {  	_ =	shalt  }
0x6c: {  	_ =	shalt  }
0x6d: {  	_ =	shalt  }
0x6e: {  	_ =	shalt  }
0x6f: {  	_ =	shalt  }
0x70: {  	_ =	shalt  }
0x71: {  	_ =	shalt  }
0x72: {  	_ =	shalt  }
0x73: {  	_ =	shalt  }
0x74: {  	_ =	shalt  }
0x75: {  	_ =	shalt  }
0x76: {  	_ =	shalt  }
0x77: {  	_ =	shalt  }
0x78: {  	_ =	shalt  }
0x79: {  	_ =	shalt  }
0x7a: {  	_ =	shalt  }
0x7b: {  	_ =	shalt  }
0x7c: {  	_ =	shalt  }
0x7d: {  	_ =	shalt  }
0x7e: {  	_ =	shalt  }
0x7f: {  	_ =	shalt  }
0x80: {  	_ =	shalt  }
0x81: {  	_ =	shalt  }
0x82: {  	_ =	shalt  }
0x83: {  	_ =	shalt  }
0x84: {  	_ =	shalt  }
0x85: {  	_ =	shalt  }
0x86: {  	_ =	shalt  }
0x87: {  	_ =	shalt  }
.Lfunc_end0:
.L_simem_size_0:
called_computation.1_lowered:
.L_overlay_start_0:
0x88: {  	s2 =	sld [smem:$0x3FD9]  }
0x89: {  	s3 =	sld [smem:$0x3FFE];
	_ =	sdelay $0x1  }
0x8a: {  	s1 =	srdreg.scid  }
0x8b: {  	s0 =	sand.u32 $0x1, s1  }
0x8c: {  	s16 =	sshll.u32 s0, $0xA;
	s2 =	sadd.s32 s3, s2  }
0x8d: {  	s2 =	sadd.s32 s2, s16  }
0x8e: {  	[smem:$0x3FAE] =	sst s2  }
0x8f: {  	_ = 	snop  }
0x90: {  	(tm) =	ssettm $0x1  }
0x91: {  	s17 =	sld [smem:$0x3FFB];
	_ =	sdelay $0x3  }
0x92: {  	_ =	strace s17  }
0x93: {  	s2 =	sld [smem:$0x3FFC];
	_ =	sdelay $0x3  }
0x94: {  	_ =	strace s2  }
0x95: {  	s2 =	sld [smem:$0x3FFD];
	_ =	sdelay $0x3  }
0x96: {  	_ =	strace s2  }
0x97: {  	_ =	strace $0x8FFFFFFF  }
0x98: {  	s18 =	sld [smem:$0x3FDB];
	_ =	sdelay $0x1  }
0x99: {  	s19 =	simm.s32 $_scs_section_size  }
0x9a: {  	s4 =	simm.s32 $_size__tile_overlayer_lowered;
	s5 =	simm.s32 $_tile_overlayer_lowered  }
0x9b: {  	s22 =	simm.s32 $0x1BFF;
	s21 =	sshll.u32 s5, $0x1;
	s2 =	sadd.s32 s19, s18  }
0x9c: {  	s6 =	simm.s32 $0x0;
	s20 =	sshll.u32 s4, $0x1;
	s4 =	sadd.s32 s21, s2  }
0x9d: {  	[timem:s6], [sflag:s22] =	dma.local [hbm:s4], s20  }
0x9e: {  	_ =	swait.ge [sflag:s22], s20  }
0x9f: {  	s3 =	ssub.s32 $0x0, s20;
	[sflag:s22] =	ssyncset.done $0x0  }
0xa0: {  	[sflag:s22] =	ssyncadd.s32 s3;
	_ =	sdelay $0x1  }
0xa1: {  	s23 =	simm.s32 $0x1B8B  }
0xa2: {  	_ =	swait.ge [sflag:s23], $0x1  }
0xa3: {  	[sflag:s23] =	ssyncset.done $0x0  }
0xa4: {  	s25 =	simm.s32 $0x1B8E;
	s24 =	sld [smem:$0x3FFE];
	[sflag:s23] =	ssyncadd.s32 $0xFFFFFFFF  }
0xa5: {  	s26 =	simm.s32 $execute0_lowered;
	[smem:$0x3FD2] =	sst s25  }
0xa6: {  	s4 =	sshll.u32 s26, $0x1;
	_ =	strace $0x80000049;
	[dreg:$0x1] =	wrdreg $0xFFFFFFFF  }
0xa7: {  	s28 =	simm.s32 $_size_execute0_lowered;
	s2 =	sadd.s32 s2, s4;
	[dreg:$0x0] =	wrdreg $0x0  }
0xa8: {  	s4 =	sshll.u32 s28, $0x1;
	[dreg:$0x2] =	wrdreg s2  }
0xa9: {  	[dreg:$0x3] =	wrdreg s4  }
0xaa: {  	[dreg:$0x4] =	wrdreg $0xC0  }
0xab: {  	_ =	task [dreg:s6], $0x5FFFF  }
0xac: {  	[dreg:$0x1] =	wrdreg $0xFFFFFFFF  }
0xad: {  	[dreg:$0x0] =	wrdreg $0x60  }
0xae: {  	[dreg:$0x2] =	wrdreg s24  }
0xaf: {  	[dreg:$0x3] =	wrdreg $0x72000  }
0xb0: {  	[dreg:$0x4] =	wrdreg $0x9  }
0xb1: {  	_ =	task.clear_ibuf [dreg:s6], $0x5FFFF;
	_ =	strace $0x90000049  }
0xb2: {  	s29 =	simm.s32 $0x9;
	_ =	strace $0x8000004B  }
0xb3: {  	_ =	swait.ge [sflag:s29], $0x1  }
0xb4: {  	[sflag:s29] =	ssyncadd.s32 $0xFFFFFFFF  }
0xb5: {  	_ =	strace $0x9000004B  }
0xb6: {  	_ =	sfence  }
0xb7: {  	s30 =	sld [smem:$0x0];
	_ =	sdelay $0x2  }
0xb8: {  	s31 =	sshll.u32 s1, $0xD;
	s1 =	sshrl.u32 s1, $0x2  }
0xb9: {  	s3 =	sand.u32 $0x4000, s31;
	s1 =	sadd.s32 s1, s30  }
0xba: {  	s0 =	sor.u32 s3, s0;
	s1 =	sshll.u32 s1, $0x11  }
0xbb: {  	s0 =	sor.u32 s1, s0  }
0xbc: {  	s0 =	sadd.s32 $0x8F2B, s0  }
0xbd: {  	[sflag:s0] =	ssyncadd.remote.s32 $0x1  }
0xbe: {  	_ =	sfence.sel $0xFFFF  }
0xbf: {  	[dreg:$0x0] =	wrdreg $0xFFFFFFFF;
	(pc) =	sbr.abs _section_cstart, $3  }
0xc0: {  	[dreg:$0x1] =	wrdreg $0xFFFFFFFF  }
0xc1: {  	_ =	task.clear_ibuf [dreg:s6], $0x2FFFF;
	_ =	strace $0x9FFFFFFF  }
0xc2: {  	(tm) =	ssettm $0x7FFFFFFF  }
0xc3: {  	_ =	shalt  }
tec
execute0_lowered:
.L_overlay_start_1:
0x0: {  	(tag) =	ssettag $0x1  }
0x1: {  	s0 =	srdreg.scid;
	s7 =	rddreg [dreg:$0x0]  }
0x2: {  	s2 =	rddreg [dreg:$0x1];
	s3 =	simm.s32 $0x0;
	s14 =	simm.s32 $0x80  }
0x3: {  	s15 =	simm.s32 $0x5A00;
	s16 =	simm.s32 $0x6200;
	s17 =	simm.s32 $0x6A00  }
0x4: {  	s18 =	simm.s32 $0x1;
	s19 =	simm.s32 $0x2;
	s20 =	simm.s32 $0x3  }
0x5: {  	s21 =	simm.s32 $0x0;
	s6 =	sand.u32 $0x1, s0;
	s0 =	stileid.u32  }
0x6: {  	[smem:$0x7FF] =	sst s3;
	s1 =	sshll.u32 s6, $0x4;
	s8 =	smul.u32 $0x2D00, s0  }
0x7: {  	s5 =	smul.u32 $0x2D000, s6;
	s6 =	ssub.s32 $0x2, s6;
	s1 =	sor.u32 s0, s1  }
0x8: {  	s11 =	sshll.u32 s0, $0x6;
	s31 =	sshrl.u32 s6, $0x1;
	s4 =	smul.u32 $0x5A0, s1  }
0x9: {  	s1 =	rddreg [dreg:$0x2];
	_ =	strace $0x8000004A;
	s10 =	sadd.s32 s8, s5  }
0xa: {  	s5 =	sadd.s32 $0x8600, s7;
	s12 =	ssub.s32 s6, s31;
	s13 =	sadd.s32 s8, s2  }
0xb: {  	s6 =	sor.u32 $0x1C04, s11;
	s10 =	sshrl.u32 s10, $0x3;
	s11 =	sshrl.u32 s13, $0x3  }
0xc: {  	s13 =	simm.s32 $0x2D00;
	s9 =	sadd.s32 s4, s7;
	s4 =	sadd.s32 $0x8C00, s7  }
0xd: {  	s10 =	sadd.s32 s10, s7;
	s7 =	sadd.s32 $0xE600, s9;
	s8 =	sadd.s32 $0x19A00, s9  }
0xe: {  	s9 =	sadd.s32 $0x24E00, s10;
	s10 =	smax.u32 s12, $0x1;
	s12 =	simm.s32 $0x4  }
.LBB2_1:
0xf: {  	[spmem:s11], [sflag:s6] =	dma.local [hbm:s5], $0x5A0  }
0x10: {  	_ =	swait.ge [sflag:s12], $0x5A0  }
0x11: {  	[sflag:s12] =	ssyncset.done $0x0  }
0x12: {  	[sflag:s12] =	ssyncadd.s32 $0xFFFFFA60  }
0x13: {  	[tilespmem:s3], [sflag:$0x4] =	stream.linear.gather [hbm4b:s7+s3], $0x2D00, $0x38;
	[tilespmem:$0x9F00] =	vst v63  }
0x14: {  	_ =	swait.ge [sflag:s12], $0x2D00  }
0x15: {  	[sflag:s12] =	ssyncset.done $0x0  }
0x16: {  	[sflag:s12] =	ssyncadd.s32 $0xFFFFD300  }
0x17: {  	[tilespmem:s13], [sflag:$0x4] =	stream.linear.gather [hbm4b:s8+s3], $0x2D00, $0x38;
	[tilespmem:$0x9F00] =	vst v63  }
0x18: {  	_ =	swait.ge [sflag:s12], $0x2D00  }
0x19: {  	[sflag:s12] =	ssyncset.done $0x0  }
0x1a: {  	[sflag:s12] =	ssyncadd.s32 $0xFFFFD300  }
0x1b: {  	s22 =	simm.s32 $0x0;
	[bflag:$0x0] =	sbarrier.arrive $0xFFFF  }
0x1c: {  	[tilespmem:s15], [sflag:$0x1] =	stream.indirect.gather [hbm4b:s4+s14], $0x10, s22, s14, $0xb8;
	[tilespmem:$0x9F00] =	vst v63  }
0x1d: {  	s26 =	simm.s32 $0x80  }
0x1e: {  	[tilespmem:s16], [sflag:$0x2] =	stream.indirect.gather [hbm4b:s4+s14], $0x10, s26, s14, $0xb8;
	[tilespmem:$0x9F00] =	vst v63  }
0x1f: {  	s28 =	simm.s32 $0x100  }
0x20: {  	[tilespmem:s17], [sflag:$0x3] =	stream.indirect.gather [hbm4b:s4+s14], $0x10, s28, s14, $0xb8;
	[tilespmem:$0x9F00] =	vst v63  }
0x21: {  	_ =	swait.ge [sflag:s18], $0x800  }
0x22: {  	[sflag:s18] =	ssyncset.done $0x0  }
0x23: {  	s29 =	simm.s32 $0x2D00;
	[sflag:s18] =	ssyncadd.s32 $0xFFFFF800  }
0x24: {  	[spmem:s2] =	stream.indirect.scatter.add.f32 [tilespmem:s15], [sflag:$0x4], $0x10, s29, s14, $0xb8;
	[tilespmem:$0x9F00] =	vst v63  }
0x25: {  	_ =	swait.ge [sflag:s12], $0x800  }
0x26: {  	[sflag:s12] =	ssyncset.done $0x0  }
0x27: {  	[sflag:s12] =	ssyncadd.s32 $0xFFFFF800  }
0x28: {  	_ =	swait.ge [sflag:s19], $0x800  }
0x29: {  	[sflag:s19] =	ssyncset.done $0x0  }
0x2a: {  	s30 =	simm.s32 $0x2D80;
	[sflag:s19] =	ssyncadd.s32 $0xFFFFF800  }
0x2b: {  	[spmem:s2] =	stream.indirect.scatter.add.f32 [tilespmem:s16], [sflag:$0x4], $0x10, s30, s14, $0xb8;
	[tilespmem:$0x9F00] =	vst v63  }
0x2c: {  	_ =	swait.ge [sflag:s12], $0x800  }
0x2d: {  	[sflag:s12] =	ssyncset.done $0x0  }
0x2e: {  	[sflag:s12] =	ssyncadd.s32 $0xFFFFF800  }
0x2f: {  	_ =	swait.ge [sflag:s20], $0x800  }
0x30: {  	[sflag:s20] =	ssyncset.done $0x0  }
0x31: {  	s31 =	simm.s32 $0x2E00;
	[sflag:s20] =	ssyncadd.s32 $0xFFFFF800  }
0x32: {  	[spmem:s2] =	stream.indirect.scatter.add.f32 [tilespmem:s17], [sflag:$0x4], $0x10, s31, s14, $0xb8;
	[tilespmem:$0x9F00] =	vst v63  }
0x33: {  	_ =	swait.ge [sflag:s12], $0x800  }
0x34: {  	s23 =	simm.s32 $0xC00;
	s22 =	simm.s32 $0x600;
	[sflag:s12] =	ssyncset.done $0x0  }
.LBB2_2:
0x35: {  	s24 =	sshra.s32 s22, $0x2  }
0x36: {  	[sflag:s12] =	ssyncadd.s32 $0xFFFFF800;
	s22 =	smov.u32 s23;
	s25 =	sadd.s32 $0x600, s23  }
0x37: {  	[tilespmem:s15], [sflag:$0x1] =	stream.indirect.gather [hbm4b:s4+s14], $0x10, s24, s14, $0xb8;
	[tilespmem:$0x9F00] =	vst v63  }
0x38: {  	p0 =	sne.s32 s23, $0xAE00;
	s23 =	sadd.s32 $0x80, s24  }
0x39: {  	[tilespmem:s16], [sflag:$0x2] =	stream.indirect.gather [hbm4b:s4+s14], $0x10, s23, s14, $0xb8;
	[tilespmem:$0x9F00] =	vst v63  }
0x3a: {  	s23 =	sadd.s32 $0x100, s24  }
0x3b: {  	[tilespmem:s17], [sflag:$0x3] =	stream.indirect.gather [hbm4b:s4+s14], $0x10, s23, s14, $0xb8;
	[tilespmem:$0x9F00] =	vst v63  }
0x3c: {  	_ =	swait.ge [sflag:s18], $0x800  }
0x3d: {  	[sflag:s18] =	ssyncset.done $0x0  }
0x3e: {  	s23 =	sadd.s32 $0x2D00, s24;
	[sflag:s18] =	ssyncadd.s32 $0xFFFFF800  }
0x3f: {  	[spmem:s2] =	stream.indirect.scatter.add.f32 [tilespmem:s15], [sflag:$0x4], $0x10, s23, s14, $0xb8;
	[tilespmem:$0x9F00] =	vst v63  }
0x40: {  	_ =	swait.ge [sflag:s12], $0x800  }
0x41: {  	[sflag:s12] =	ssyncset.done $0x0  }
0x42: {  	[sflag:s12] =	ssyncadd.s32 $0xFFFFF800  }
0x43: {  	_ =	swait.ge [sflag:s19], $0x800  }
0x44: {  	[sflag:s19] =	ssyncset.done $0x0  }
0x45: {  	s23 =	sadd.s32 $0x2D80, s24;
	[sflag:s19] =	ssyncadd.s32 $0xFFFFF800  }
0x46: {  	[spmem:s2] =	stream.indirect.scatter.add.f32 [tilespmem:s16], [sflag:$0x4], $0x10, s23, s14, $0xb8;
	[tilespmem:$0x9F00] =	vst v63  }
0x47: {  	_ =	swait.ge [sflag:s12], $0x800  }
0x48: {  	[sflag:s12] =	ssyncset.done $0x0  }
0x49: {  	[sflag:s12] =	ssyncadd.s32 $0xFFFFF800  }
0x4a: {  	_ =	swait.ge [sflag:s20], $0x800  }
.Ltmp0:
0x4b: {  	[sflag:s20] =	ssyncset.done $0x0;
	(pc) =	sbr.rel @p0 .LBB2_2-.Ltmp0, $4  }
0x4c: {  	s23 =	sadd.s32 $0x2E00, s24;
	[sflag:s20] =	ssyncadd.s32 $0xFFFFF800  }
0x4d: {  	[spmem:s2] =	stream.indirect.scatter.add.f32 [tilespmem:s17], [sflag:$0x4], $0x10, s23, s14, $0xb8;
	[tilespmem:$0x9F00] =	vst v63  }
0x4e: {  	_ =	swait.ge [sflag:s12], $0x800  }
0x4f: {  	s23 =	smov.u32 s25;
	[sflag:s12] =	ssyncset.done $0x0  }
0x50: {  	s22 =	sshra.s32 s22, $0x2;
	[sflag:s12] =	ssyncadd.s32 $0xFFFFF800  }
0x51: {  	[tilespmem:s15], [sflag:$0x1] =	stream.indirect.gather [hbm4b:s4+s14], $0x10, s22, s14, $0xb8;
	[tilespmem:$0x9F00] =	vst v63  }
0x52: {  	s23 =	sadd.s32 $0x80, s22  }
0x53: {  	[tilespmem:s16], [sflag:$0x2] =	stream.indirect.gather [hbm4b:s4+s14], $0x10, s23, s14, $0xb8;
	[tilespmem:$0x9F00] =	vst v63  }
0x54: {  	s29 =	sadd.s32 $0x100, s22  }
0x55: {  	[tilespmem:s17], [sflag:$0x3] =	stream.indirect.gather [hbm4b:s4+s14], $0x10, s29, s14, $0xb8;
	[tilespmem:$0x9F00] =	vst v63  }
0x56: {  	_ =	swait.ge [sflag:s18], $0x800  }
0x57: {  	[sflag:s18] =	ssyncset.done $0x0  }
0x58: {  	s30 =	sadd.s32 $0x2D00, s22;
	[sflag:s18] =	ssyncadd.s32 $0xFFFFF800  }
0x59: {  	[spmem:s2] =	stream.indirect.scatter.add.f32 [tilespmem:s15], [sflag:$0x4], $0x10, s30, s14, $0xb8;
	[tilespmem:$0x9F00] =	vst v63  }
0x5a: {  	_ =	swait.ge [sflag:s12], $0x800  }
0x5b: {  	[sflag:s12] =	ssyncset.done $0x0  }
0x5c: {  	[sflag:s12] =	ssyncadd.s32 $0xFFFFF800  }
0x5d: {  	_ =	swait.ge [sflag:s19], $0x800  }
0x5e: {  	[sflag:s19] =	ssyncset.done $0x0  }
0x5f: {  	s31 =	sadd.s32 $0x2D80, s22;
	[sflag:s19] =	ssyncadd.s32 $0xFFFFF800  }
0x60: {  	[spmem:s2] =	stream.indirect.scatter.add.f32 [tilespmem:s16], [sflag:$0x4], $0x10, s31, s14, $0xb8;
	[tilespmem:$0x9F00] =	vst v63  }
0x61: {  	_ =	swait.ge [sflag:s12], $0x800  }
0x62: {  	[sflag:s12] =	ssyncset.done $0x0  }
0x63: {  	[sflag:s12] =	ssyncadd.s32 $0xFFFFF800  }
0x64: {  	_ =	swait.ge [sflag:s20], $0x800  }
0x65: {  	[sflag:s20] =	ssyncset.done $0x0  }
0x66: {  	s22 =	sadd.s32 $0x2E00, s22;
	[sflag:s20] =	ssyncadd.s32 $0xFFFFF800  }
0x67: {  	[spmem:s2] =	stream.indirect.scatter.add.f32 [tilespmem:s17], [sflag:$0x4], $0x10, s22, s14, $0xb8;
	[tilespmem:$0x9F00] =	vst v63  }
0x68: {  	_ =	swait.ge [sflag:s12], $0x800  }
0x69: {  	s21 =	sadd.s32 $0x1, s21;
	[sflag:s12] =	ssyncset.done $0x0  }
0x6a: {  	p0 =	sne.s32 s21, s10;
	[sflag:s12] =	ssyncadd.s32 $0xFFFFF800  }
.Ltmp1:
0x6b: {  	[bflag:$0x0] =	sbarrier.arrive $0xFFFF;
	(pc) =	sbr.rel @p0 .LBB2_1-.Ltmp1, $4  }
0x6c: {  	[hbm:s9], [sflag:s6] =	dma.local [spmem:s11], $0x5A0  }
0x6d: {  	_ =	swait.ge [sflag:s12], $0x5A0  }
0x6e: {  	[sflag:s12] =	ssyncset.done $0x0  }
0x6f: {  	[sflag:s12] =	ssyncadd.s32 $0xFFFFFA60  }
0x70: {  	_ =	sfence.sel $0x180000  }
0x71: {  	[bflag:$0x0] =	sbarrier.arrive $0xFFFF  }
0x72: {  	p0 =	sne.s32 s0, $0x0;
	_ =	strace $0x9000004A  }
0x73: {  	s0 =	sadd.s32 @!p0 $0x100000, s1;
	[bflag:$0x2] =	sbarrier.arrive $0xFFFF  }
0x74: {  	[sflag:s0] =	ssyncadd.tile.s32 @!p0 $0x1;
	_ =	shalt  }
.Lfunc_end2:
_tile_overlayer_lowered:
.L_overlay_start_2:
0x75: {  	(tag) =	ssettag $0x2  }
0x76: {  	s0 =	rddreg [dreg:$0x0];
	s2 =	stileid.u32  }
0x77: {  	s1 =	rddreg [dreg:$0x1];
	p0 =	sne.s32 s2, $0x0  }
0x78: {  	s3 =	rddreg [dreg:$0x2];
	[bflag:$0x3] =	sbarrier.arrive $0xFFFF;
	s2 =	simm.s32 @!p0 $0x1C04  }
0x79: {  	[timem:s3], [sflag:s2] =	dma.local @!p0 [hbm:s0], s1  }
0x7a: {  	s0 =	simm.s32 @!p0 $0x4  }
0x7b: {  	_ =	swait.ge @!p0 [sflag:s0], s1  }
0x7c: {  	s1 =	ssub.s32 @!p0 $0x0, s1;
	[sflag:s0] =	ssyncset.done @!p0 $0x0  }
0x7d: {  	[sflag:s0] =	ssyncadd.s32 @!p0 s1  }
0x7e: {  	[bflag:$0x3] =	sbarrier.arrive $0xFFFF  }
0x7f: {  	_ =	shalt  }

// kernel: kernel.15.cloned.1.call-start
scs
__scs_entry_jumppad:
0x0: {  	(pc) =	sbr.rel $0x88, $3  }
0x1: {  	(tag) =	ssettag $0x0;
	lr =	simm.s32 $0x1  }
0x2: {  	[smem:$0x3F87] =	sst lr;
	_ =	strace $0xD0000000  }
0x3: {  	_ = 	snop  }
0x4: {  	_ = 	snop  }
0x5: {  	_ = 	snop  }
0x6: {  	_ = 	snop  }
0x7: {  	_ = 	snop  }
__scs_overlays_trampoline_lowered:
0x8: {  	[smem:$0x3F96] =	sst s0  }
0x9: {  	[smem:$0x3F97] =	sst s1  }
0xa: {  	[smem:$0x3F98] =	sst s2  }
0xb: {  	[smem:$0x3F99] =	sst s3  }
0xc: {  	[smem:$0x3F9A] =	sst s4  }
0xd: {  	[smem:$0x3F9B] =	sst s5  }
0xe: {  	[smem:$0x3F9C] =	sst s6  }
0xf: {  	[smem:$0x3F9D] =	sst s7  }
0x10: {  	[smem:$0x3F9E] =	sst s8  }
0x11: {  	[smem:$0x3F9F] =	sst s9;
	s0 =	simm.s32 @!p0 $0x0  }
0x12: {  	s1 =	sld [smem:$0x3F85];
	s0 =	simm.s32 @p0 $0x1  }
0x13: {  	[smem:$0x3FA0] =	sst s0;
	s0 =	simm.s32 @!p1 $0x0  }
0x14: {  	s2 =	sld [smem:$0x3F84];
	s0 =	simm.s32 @p1 $0x1  }
0x15: {  	[smem:$0x3FA1] =	sst s0;
	s0 =	simm.s32 @!p2 $0x0  }
0x16: {  	s3 =	sld [smem:$0x3FDB];
	s0 =	simm.s32 @p2 $0x1  }
0x17: {  	s4 =	simm.s32 $0x1BF5;
	[smem:$0x3FA3] =	sst s0  }
0x18: {  	s0 =	sld [smem:$0x3F86];
	_ =	swait.ge [sflag:s4], $0x0  }
0x19: {  	s7 =	sld [smem:$0x3F87]  }
0x1a: {  	s8 =	sadd.s32 $0xFFFFE003, lr  }
0x1b: {  	s9 =	sadd.s32 $0xFFFFFEF7, lr;
	s5 =	simm.s32 $0xFFFFFFFF;
	p2 =	slt.u32 s8, $0xFFFFF086  }
0x1c: {  	p1 =	slt.u32 s9, $0xF7A;
	s5 =	simm.s32 @!p2 $0x0  }
0x1d: {  	s5 =	simm.s32 @p1 $0x1;
	p0 =	seq.s32 s7, s2  }
0x1e: {  	s7 =	smul.u32 @!p0 $0xF7A, s2;
	p2 =	seq.s32 @!p0 s5, $0x0  }
0x1f: {  	s9 =	smul.u32 $0xF7A, s1;
	s8 =	simm.s32 @!p0 $0x1BF5;
	p2 =	por !p2, p0  }
0x20: {  	[sflag:s8] =	ssyncset.s32 @!p0 $0xFFFFF086;
	s6 =	sadd.s32 @!p0 s3, s7;
	s7 =	simm.s32 @!p0 $0x108  }
0x21: {  	s3 =	sadd.s32 s3, s9;
	s6 =	sadd.s32 @!p0 $0x88, s6;
	s7 =	simm.s32 @p2 $0x1082  }
0x22: {  	[simem:s7], [sflag:s8] =	dma.local @!p0 [hbm:s6], $0xF7A  }
0x23: {  	s9 =	sor.u32 $0xD0000000, s2;
	s6 =	simm.s32 $0x108;
	_ =	swait.ge @!p0 [sflag:s8], $0x0  }
0x24: {  	s3 =	sadd.s32 $0x88, s3;
	s6 =	simm.s32 @!p1 $0x1082;
	[sflag:s4] =	ssyncset.s32 $0xFFFFF086  }
0x25: {  	[simem:s6], [sflag:s4] =	dma.local [hbm:s3], $0xF7A  }
0x26: {  	[smem:$0x3F87] =	sst s1;
	(tag) =	ssettag s2;
	_ =	strace s9  }
0x27: {  	s1 =	sld [smem:$0x3F97]  }
0x28: {  	s2 =	sld [smem:$0x3F98]  }
0x29: {  	s4 =	sld [smem:$0x3F9A]  }
0x2a: {  	p0 =	seq.s32 s5, $0x0;
	s5 =	sld [smem:$0x3F9B]  }
0x2b: {  	s6 =	sld [smem:$0x3F9C]  }
0x2c: {  	s7 =	sld [smem:$0x3F9D]  }
0x2d: {  	s3 =	simm.s32 $0x108;
	s8 =	sld [smem:$0x3F9E]  }
0x2e: {  	s3 =	simm.s32 @!p0 $0x1082;
	s9 =	sld [smem:$0x3F9F]  }
0x2f: {  	lr =	sadd.s32 s0, s3;
	s0 =	sld [smem:$0x3F96]  }
0x30: {  	s3 =	sld [smem:$0x3F99]  }
0x31: {  	[smem:$0x3FA2] =	sst s10  }
0x32: {  	s10 =	sld [smem:$0x3FA0];
	_ =	sdelay $0x3  }
0x33: {  	p0 =	seq.s32 s10, $0x1;
	s10 =	sld [smem:$0x3FA2];
	_ =	sdelay $0x3  }
0x34: {  	[smem:$0x3FA2] =	sst s10  }
0x35: {  	s10 =	sld [smem:$0x3FA1];
	_ =	sdelay $0x3  }
0x36: {  	p1 =	seq.s32 s10, $0x1;
	s10 =	sld [smem:$0x3FA2];
	_ =	sdelay $0x3  }
0x37: {  	[smem:$0x3FA2] =	sst s10  }
0x38: {  	s10 =	sld [smem:$0x3FA3]  }
0x39: {  	_ = 	snop;
	(pc) =	sbr.ind lr, $3  }
0x3a: {  	_ = 	snop  }
0x3b: {  	_ = 	snop  }
0x3c: {  	p2 =	seq.s32 s10, $0x1;
	s10 =	sld [smem:$0x3FA2]  }
0x3d: {  	_ =	shalt  }
0x3e: {  	_ =	shalt  }
0x3f: {  	_ =	shalt  }
0x40: {  	_ =	shalt  }
0x41: {  	_ =	shalt  }
0x42: {  	_ =	shalt  }
0x43: {  	_ =	shalt  }
0x44: {  	_ =	shalt  }
0x45: {  	_ =	shalt  }
0x46: {  	_ =	shalt  }
0x47: {  	_ =	shalt  }
0x48: {  	_ =	shalt  }
0x49: {  	_ =	shalt  }
0x4a: {  	_ =	shalt  }
0x4b: {  	_ =	shalt  }
0x4c: {  	_ =	shalt  }
0x4d: {  	_ =	shalt  }
0x4e: {  	_ =	shalt  }
0x4f: {  	_ =	shalt  }
0x50: {  	_ =	shalt  }
0x51: {  	_ =	shalt  }
0x52: {  	_ =	shalt  }
0x53: {  	_ =	shalt  }
0x54: {  	_ =	shalt  }
0x55: {  	_ =	shalt  }
0x56: {  	_ =	shalt  }
0x57: {  	_ =	shalt  }
0x58: {  	_ =	shalt  }
0x59: {  	_ =	shalt  }
0x5a: {  	_ =	shalt  }
0x5b: {  	_ =	shalt  }
0x5c: {  	_ =	shalt  }
0x5d: {  	_ =	shalt  }
0x5e: {  	_ =	shalt  }
0x5f: {  	_ =	shalt  }
0x60: {  	_ =	shalt  }
0x61: {  	_ =	shalt  }
0x62: {  	_ =	shalt  }
0x63: {  	_ =	shalt  }
0x64: {  	_ =	shalt  }
0x65: {  	_ =	shalt  }
0x66: {  	_ =	shalt  }
0x67: {  	_ =	shalt  }
0x68: {  	_ =	shalt  }
0x69: {  	_ =	shalt  }
0x6a: {  	_ =	shalt  }
0x6b: {  	_ =	shalt  }
0x6c: {  	_ =	shalt  }
0x6d: {  	_ =	shalt  }
0x6e: {  	_ =	shalt  }
0x6f: {  	_ =	shalt  }
0x70: {  	_ =	shalt  }
0x71: {  	_ =	shalt  }
0x72: {  	_ =	shalt  }
0x73: {  	_ =	shalt  }
0x74: {  	_ =	shalt  }
0x75: {  	_ =	shalt  }
0x76: {  	_ =	shalt  }
0x77: {  	_ =	shalt  }
0x78: {  	_ =	shalt  }
0x79: {  	_ =	shalt  }
0x7a: {  	_ =	shalt  }
0x7b: {  	_ =	shalt  }
0x7c: {  	_ =	shalt  }
0x7d: {  	_ =	shalt  }
0x7e: {  	_ =	shalt  }
0x7f: {  	_ =	shalt  }
0x80: {  	_ =	shalt  }
0x81: {  	_ =	shalt  }
0x82: {  	_ =	shalt  }
0x83: {  	_ =	shalt  }
0x84: {  	_ =	shalt  }
0x85: {  	_ =	shalt  }
0x86: {  	_ =	shalt  }
0x87: {  	_ =	shalt  }
.Lfunc_end0:
.L_simem_size_0:
called_computation.2_lowered:
.L_overlay_start_0:
0x88: {  	s2 =	sld [smem:$0x3FD9]  }
0x89: {  	s3 =	sld [smem:$0x3FFE];
	_ =	sdelay $0x1  }
0x8a: {  	s1 =	srdreg.scid  }
0x8b: {  	s0 =	sand.u32 $0x1, s1  }
0x8c: {  	s16 =	sshll.u32 s0, $0xA;
	s2 =	sadd.s32 s3, s2  }
0x8d: {  	s2 =	sadd.s32 s2, s16  }
0x8e: {  	[smem:$0x3FAE] =	sst s2  }
0x8f: {  	_ = 	snop  }
0x90: {  	(tm) =	ssettm $0x1  }
0x91: {  	s17 =	sld [smem:$0x3FFB];
	_ =	sdelay $0x3  }
0x92: {  	_ =	strace s17  }
0x93: {  	s2 =	sld [smem:$0x3FFC];
	_ =	sdelay $0x3  }
0x94: {  	_ =	strace s2  }
0x95: {  	s2 =	sld [smem:$0x3FFD];
	_ =	sdelay $0x3  }
0x96: {  	_ =	strace s2  }
0x97: {  	_ =	strace $0x8FFFFFFF  }
0x98: {  	s18 =	sld [smem:$0x3FDB];
	_ =	sdelay $0x1  }
0x99: {  	s19 =	simm.s32 $_scs_section_size  }
0x9a: {  	s4 =	simm.s32 $_size__tile_overlayer_lowered;
	s5 =	simm.s32 $_tile_overlayer_lowered  }
0x9b: {  	s22 =	simm.s32 $0x1BFF;
	s21 =	sshll.u32 s5, $0x1;
	s2 =	sadd.s32 s19, s18  }
0x9c: {  	s6 =	simm.s32 $0x0;
	s20 =	sshll.u32 s4, $0x1;
	s4 =	sadd.s32 s21, s2  }
0x9d: {  	[timem:s6], [sflag:s22] =	dma.local [hbm:s4], s20  }
0x9e: {  	_ =	swait.ge [sflag:s22], s20  }
0x9f: {  	s3 =	ssub.s32 $0x0, s20;
	[sflag:s22] =	ssyncset.done $0x0  }
0xa0: {  	[sflag:s22] =	ssyncadd.s32 s3;
	_ =	sdelay $0x1  }
0xa1: {  	s23 =	simm.s32 $0x1B8B  }
0xa2: {  	_ =	swait.ge [sflag:s23], $0x1  }
0xa3: {  	[sflag:s23] =	ssyncset.done $0x0  }
0xa4: {  	s25 =	simm.s32 $0x1B8E;
	s24 =	sld [smem:$0x3FFE];
	[sflag:s23] =	ssyncadd.s32 $0xFFFFFFFF  }
0xa5: {  	s26 =	simm.s32 $execute0_lowered;
	[smem:$0x3FD2] =	sst s25  }
0xa6: {  	s4 =	sshll.u32 s26, $0x1;
	_ =	strace $0x8000004C;
	[dreg:$0x1] =	wrdreg $0xFFFFFFFF  }
0xa7: {  	s28 =	simm.s32 $_size_execute0_lowered;
	s2 =	sadd.s32 s2, s4;
	[dreg:$0x0] =	wrdreg $0x0  }
0xa8: {  	s4 =	sshll.u32 s28, $0x1;
	[dreg:$0x2] =	wrdreg s2  }
0xa9: {  	[dreg:$0x3] =	wrdreg s4  }
0xaa: {  	[dreg:$0x4] =	wrdreg $0xC0  }
0xab: {  	_ =	task [dreg:s6], $0x5FFFF  }
0xac: {  	[dreg:$0x1] =	wrdreg $0xFFFFFFFF  }
0xad: {  	[dreg:$0x0] =	wrdreg $0x60  }
0xae: {  	[dreg:$0x2] =	wrdreg s24  }
0xaf: {  	[dreg:$0x3] =	wrdreg $0x72000  }
0xb0: {  	[dreg:$0x4] =	wrdreg $0x9  }
0xb1: {  	_ =	task.clear_ibuf [dreg:s6], $0x5FFFF;
	_ =	strace $0x9000004C  }
0xb2: {  	s29 =	simm.s32 $0x9;
	_ =	strace $0x8000004E  }
0xb3: {  	_ =	swait.ge [sflag:s29], $0x1  }
0xb4: {  	[sflag:s29] =	ssyncadd.s32 $0xFFFFFFFF  }
0xb5: {  	_ =	strace $0x9000004E  }
0xb6: {  	_ =	sfence  }
0xb7: {  	s30 =	sld [smem:$0x0];
	_ =	sdelay $0x2  }
0xb8: {  	s31 =	sshll.u32 s1, $0xD;
	s1 =	sshrl.u32 s1, $0x2  }
0xb9: {  	s3 =	sand.u32 $0x4000, s31;
	s1 =	sadd.s32 s1, s30  }
0xba: {  	s0 =	sor.u32 s3, s0;
	s1 =	sshll.u32 s1, $0x11  }
0xbb: {  	s0 =	sor.u32 s1, s0  }
0xbc: {  	s0 =	sadd.s32 $0x8F2B, s0  }
0xbd: {  	[sflag:s0] =	ssyncadd.remote.s32 $0x1  }
0xbe: {  	_ =	sfence.sel $0xFFFF  }
0xbf: {  	[dreg:$0x0] =	wrdreg $0xFFFFFFFF;
	(pc) =	sbr.abs _section_cstart, $3  }
0xc0: {  	[dreg:$0x1] =	wrdreg $0xFFFFFFFF  }
0xc1: {  	_ =	task.clear_ibuf [dreg:s6], $0x2FFFF;
	_ =	strace $0x9FFFFFFF  }
0xc2: {  	(tm) =	ssettm $0x7FFFFFFF  }
0xc3: {  	_ =	shalt  }
tec
execute0_lowered:
.L_overlay_start_1:
0x0: {  	(tag) =	ssettag $0x1  }
0x1: {  	s0 =	srdreg.scid;
	s7 =	rddreg [dreg:$0x0]  }
0x2: {  	s2 =	rddreg [dreg:$0x1];
	s3 =	simm.s32 $0x0;
	s14 =	simm.s32 $0x80  }
0x3: {  	s15 =	simm.s32 $0x5A00;
	s16 =	simm.s32 $0x6200;
	s17 =	simm.s32 $0x6A00  }
0x4: {  	s18 =	simm.s32 $0x1;
	s19 =	simm.s32 $0x2;
	s20 =	simm.s32 $0x3  }
0x5: {  	s21 =	simm.s32 $0x0;
	s6 =	sand.u32 $0x1, s0;
	s0 =	stileid.u32  }
0x6: {  	[smem:$0x7FF] =	sst s3;
	s1 =	sshll.u32 s6, $0x4;
	s8 =	smul.u32 $0x2D00, s0  }
0x7: {  	s5 =	smul.u32 $0x2D000, s6;
	s6 =	ssub.s32 $0x2, s6;
	s1 =	sor.u32 s0, s1  }
0x8: {  	s11 =	sshll.u32 s0, $0x6;
	s31 =	sshrl.u32 s6, $0x1;
	s4 =	smul.u32 $0x5A0, s1  }
0x9: {  	s1 =	rddreg [dreg:$0x2];
	_ =	strace $0x8000004D;
	s10 =	sadd.s32 s8, s5  }
0xa: {  	s5 =	sadd.s32 $0x8600, s7;
	s12 =	ssub.s32 s6, s31;
	s13 =	sadd.s32 s8, s2  }
0xb: {  	s6 =	sor.u32 $0x1C04, s11;
	s10 =	sshrl.u32 s10, $0x3;
	s11 =	sshrl.u32 s13, $0x3  }
0xc: {  	s13 =	simm.s32 $0x2D00;
	s9 =	sadd.s32 s4, s7;
	s4 =	sadd.s32 $0x8C00, s7  }
0xd: {  	s10 =	sadd.s32 s10, s7;
	s7 =	sadd.s32 $0xE600, s9;
	s8 =	sadd.s32 $0x19A00, s9  }
0xe: {  	s9 =	sadd.s32 $0x24E00, s10;
	s10 =	smax.u32 s12, $0x1;
	s12 =	simm.s32 $0x4  }
.LBB2_1:
0xf: {  	[spmem:s11], [sflag:s6] =	dma.local [hbm:s5], $0x5A0  }
0x10: {  	_ =	swait.ge [sflag:s12], $0x5A0  }
0x11: {  	[sflag:s12] =	ssyncset.done $0x0  }
0x12: {  	[sflag:s12] =	ssyncadd.s32 $0xFFFFFA60  }
0x13: {  	[tilespmem:s3], [sflag:$0x4] =	stream.linear.gather [hbm4b:s7+s3], $0x2D00, $0x38;
	[tilespmem:$0x9F00] =	vst v63  }
0x14: {  	_ =	swait.ge [sflag:s12], $0x2D00  }
0x15: {  	[sflag:s12] =	ssyncset.done $0x0  }
0x16: {  	[sflag:s12] =	ssyncadd.s32 $0xFFFFD300  }
0x17: {  	[tilespmem:s13], [sflag:$0x4] =	stream.linear.gather [hbm4b:s8+s3], $0x2D00, $0x38;
	[tilespmem:$0x9F00] =	vst v63  }
0x18: {  	_ =	swait.ge [sflag:s12], $0x2D00  }
0x19: {  	[sflag:s12] =	ssyncset.done $0x0  }
0x1a: {  	[sflag:s12] =	ssyncadd.s32 $0xFFFFD300  }
0x1b: {  	s22 =	simm.s32 $0x0;
	[bflag:$0x0] =	sbarrier.arrive $0xFFFF  }
0x1c: {  	[tilespmem:s15], [sflag:$0x1] =	stream.indirect.gather [hbm4b:s4+s14], $0x10, s22, s14, $0xb8;
	[tilespmem:$0x9F00] =	vst v63  }
0x1d: {  	s26 =	simm.s32 $0x80  }
0x1e: {  	[tilespmem:s16], [sflag:$0x2] =	stream.indirect.gather [hbm4b:s4+s14], $0x10, s26, s14, $0xb8;
	[tilespmem:$0x9F00] =	vst v63  }
0x1f: {  	s28 =	simm.s32 $0x100  }
0x20: {  	[tilespmem:s17], [sflag:$0x3] =	stream.indirect.gather [hbm4b:s4+s14], $0x10, s28, s14, $0xb8;
	[tilespmem:$0x9F00] =	vst v63  }
0x21: {  	_ =	swait.ge [sflag:s18], $0x800  }
0x22: {  	[sflag:s18] =	ssyncset.done $0x0  }
0x23: {  	s29 =	simm.s32 $0x2D00;
	[sflag:s18] =	ssyncadd.s32 $0xFFFFF800  }
0x24: {  	[spmem:s2] =	stream.indirect.scatter.add.f32 [tilespmem:s15], [sflag:$0x4], $0x10, s29, s14, $0xb8;
	[tilespmem:$0x9F00] =	vst v63  }
0x25: {  	_ =	swait.ge [sflag:s12], $0x800  }
0x26: {  	[sflag:s12] =	ssyncset.done $0x0  }
0x27: {  	[sflag:s12] =	ssyncadd.s32 $0xFFFFF800  }
0x28: {  	_ =	swait.ge [sflag:s19], $0x800  }
0x29: {  	[sflag:s19] =	ssyncset.done $0x0  }
0x2a: {  	s30 =	simm.s32 $0x2D80;
	[sflag:s19] =	ssyncadd.s32 $0xFFFFF800  }
0x2b: {  	[spmem:s2] =	stream.indirect.scatter.add.f32 [tilespmem:s16], [sflag:$0x4], $0x10, s30, s14, $0xb8;
	[tilespmem:$0x9F00] =	vst v63  }
0x2c: {  	_ =	swait.ge [sflag:s12], $0x800  }
0x2d: {  	[sflag:s12] =	ssyncset.done $0x0  }
0x2e: {  	[sflag:s12] =	ssyncadd.s32 $0xFFFFF800  }
0x2f: {  	_ =	swait.ge [sflag:s20], $0x800  }
0x30: {  	[sflag:s20] =	ssyncset.done $0x0  }
0x31: {  	s31 =	simm.s32 $0x2E00;
	[sflag:s20] =	ssyncadd.s32 $0xFFFFF800  }
0x32: {  	[spmem:s2] =	stream.indirect.scatter.add.f32 [tilespmem:s17], [sflag:$0x4], $0x10, s31, s14, $0xb8;
	[tilespmem:$0x9F00] =	vst v63  }
0x33: {  	_ =	swait.ge [sflag:s12], $0x800  }
0x34: {  	s23 =	simm.s32 $0xC00;
	s22 =	simm.s32 $0x600;
	[sflag:s12] =	ssyncset.done $0x0  }
.LBB2_2:
0x35: {  	s24 =	sshra.s32 s22, $0x2  }
0x36: {  	[sflag:s12] =	ssyncadd.s32 $0xFFFFF800;
	s22 =	smov.u32 s23;
	s25 =	sadd.s32 $0x600, s23  }
0x37: {  	[tilespmem:s15], [sflag:$0x1] =	stream.indirect.gather [hbm4b:s4+s14], $0x10, s24, s14, $0xb8;
	[tilespmem:$0x9F00] =	vst v63  }
0x38: {  	p0 =	sne.s32 s23, $0xAE00;
	s23 =	sadd.s32 $0x80, s24  }
0x39: {  	[tilespmem:s16], [sflag:$0x2] =	stream.indirect.gather [hbm4b:s4+s14], $0x10, s23, s14, $0xb8;
	[tilespmem:$0x9F00] =	vst v63  }
0x3a: {  	s23 =	sadd.s32 $0x100, s24  }
0x3b: {  	[tilespmem:s17], [sflag:$0x3] =	stream.indirect.gather [hbm4b:s4+s14], $0x10, s23, s14, $0xb8;
	[tilespmem:$0x9F00] =	vst v63  }
0x3c: {  	_ =	swait.ge [sflag:s18], $0x800  }
0x3d: {  	[sflag:s18] =	ssyncset.done $0x0  }
0x3e: {  	s23 =	sadd.s32 $0x2D00, s24;
	[sflag:s18] =	ssyncadd.s32 $0xFFFFF800  }
0x3f: {  	[spmem:s2] =	stream.indirect.scatter.add.f32 [tilespmem:s15], [sflag:$0x4], $0x10, s23, s14, $0xb8;
	[tilespmem:$0x9F00] =	vst v63  }
0x40: {  	_ =	swait.ge [sflag:s12], $0x800  }
0x41: {  	[sflag:s12] =	ssyncset.done $0x0  }
0x42: {  	[sflag:s12] =	ssyncadd.s32 $0xFFFFF800  }
0x43: {  	_ =	swait.ge [sflag:s19], $0x800  }
0x44: {  	[sflag:s19] =	ssyncset.done $0x0  }
0x45: {  	s23 =	sadd.s32 $0x2D80, s24;
	[sflag:s19] =	ssyncadd.s32 $0xFFFFF800  }
0x46: {  	[spmem:s2] =	stream.indirect.scatter.add.f32 [tilespmem:s16], [sflag:$0x4], $0x10, s23, s14, $0xb8;
	[tilespmem:$0x9F00] =	vst v63  }
0x47: {  	_ =	swait.ge [sflag:s12], $0x800  }
0x48: {  	[sflag:s12] =	ssyncset.done $0x0  }
0x49: {  	[sflag:s12] =	ssyncadd.s32 $0xFFFFF800  }
0x4a: {  	_ =	swait.ge [sflag:s20], $0x800  }
.Ltmp0:
0x4b: {  	[sflag:s20] =	ssyncset.done $0x0;
	(pc) =	sbr.rel @p0 .LBB2_2-.Ltmp0, $4  }
0x4c: {  	s23 =	sadd.s32 $0x2E00, s24;
	[sflag:s20] =	ssyncadd.s32 $0xFFFFF800  }
0x4d: {  	[spmem:s2] =	stream.indirect.scatter.add.f32 [tilespmem:s17], [sflag:$0x4], $0x10, s23, s14, $0xb8;
	[tilespmem:$0x9F00] =	vst v63  }
0x4e: {  	_ =	swait.ge [sflag:s12], $0x800  }
0x4f: {  	s23 =	smov.u32 s25;
	[sflag:s12] =	ssyncset.done $0x0  }
0x50: {  	s22 =	sshra.s32 s22, $0x2;
	[sflag:s12] =	ssyncadd.s32 $0xFFFFF800  }
0x51: {  	[tilespmem:s15], [sflag:$0x1] =	stream.indirect.gather [hbm4b:s4+s14], $0x10, s22, s14, $0xb8;
	[tilespmem:$0x9F00] =	vst v63  }
0x52: {  	s23 =	sadd.s32 $0x80, s22  }
0x53: {  	[tilespmem:s16], [sflag:$0x2] =	stream.indirect.gather [hbm4b:s4+s14], $0x10, s23, s14, $0xb8;
	[tilespmem:$0x9F00] =	vst v63  }
0x54: {  	s29 =	sadd.s32 $0x100, s22  }
0x55: {  	[tilespmem:s17], [sflag:$0x3] =	stream.indirect.gather [hbm4b:s4+s14], $0x10, s29, s14, $0xb8;
	[tilespmem:$0x9F00] =	vst v63  }
0x56: {  	_ =	swait.ge [sflag:s18], $0x800  }
0x57: {  	[sflag:s18] =	ssyncset.done $0x0  }
0x58: {  	s30 =	sadd.s32 $0x2D00, s22;
	[sflag:s18] =	ssyncadd.s32 $0xFFFFF800  }
0x59: {  	[spmem:s2] =	stream.indirect.scatter.add.f32 [tilespmem:s15], [sflag:$0x4], $0x10, s30, s14, $0xb8;
	[tilespmem:$0x9F00] =	vst v63  }
0x5a: {  	_ =	swait.ge [sflag:s12], $0x800  }
0x5b: {  	[sflag:s12] =	ssyncset.done $0x0  }
0x5c: {  	[sflag:s12] =	ssyncadd.s32 $0xFFFFF800  }
0x5d: {  	_ =	swait.ge [sflag:s19], $0x800  }
0x5e: {  	[sflag:s19] =	ssyncset.done $0x0  }
0x5f: {  	s31 =	sadd.s32 $0x2D80, s22;
	[sflag:s19] =	ssyncadd.s32 $0xFFFFF800  }
0x60: {  	[spmem:s2] =	stream.indirect.scatter.add.f32 [tilespmem:s16], [sflag:$0x4], $0x10, s31, s14, $0xb8;
	[tilespmem:$0x9F00] =	vst v63  }
0x61: {  	_ =	swait.ge [sflag:s12], $0x800  }
0x62: {  	[sflag:s12] =	ssyncset.done $0x0  }
0x63: {  	[sflag:s12] =	ssyncadd.s32 $0xFFFFF800  }
0x64: {  	_ =	swait.ge [sflag:s20], $0x800  }
0x65: {  	[sflag:s20] =	ssyncset.done $0x0  }
0x66: {  	s22 =	sadd.s32 $0x2E00, s22;
	[sflag:s20] =	ssyncadd.s32 $0xFFFFF800  }
0x67: {  	[spmem:s2] =	stream.indirect.scatter.add.f32 [tilespmem:s17], [sflag:$0x4], $0x10, s22, s14, $0xb8;
	[tilespmem:$0x9F00] =	vst v63  }
0x68: {  	_ =	swait.ge [sflag:s12], $0x800  }
0x69: {  	s21 =	sadd.s32 $0x1, s21;
	[sflag:s12] =	ssyncset.done $0x0  }
0x6a: {  	p0 =	sne.s32 s21, s10;
	[sflag:s12] =	ssyncadd.s32 $0xFFFFF800  }
.Ltmp1:
0x6b: {  	[bflag:$0x0] =	sbarrier.arrive $0xFFFF;
	(pc) =	sbr.rel @p0 .LBB2_1-.Ltmp1, $4  }
0x6c: {  	[hbm:s9], [sflag:s6] =	dma.local [spmem:s11], $0x5A0  }
0x6d: {  	_ =	swait.ge [sflag:s12], $0x5A0  }
0x6e: {  	[sflag:s12] =	ssyncset.done $0x0  }
0x6f: {  	[sflag:s12] =	ssyncadd.s32 $0xFFFFFA60  }
0x70: {  	_ =	sfence.sel $0x180000  }
0x71: {  	[bflag:$0x0] =	sbarrier.arrive $0xFFFF  }
0x72: {  	p0 =	sne.s32 s0, $0x0;
	_ =	strace $0x9000004D  }
0x73: {  	s0 =	sadd.s32 @!p0 $0x100000, s1;
	[bflag:$0x2] =	sbarrier.arrive $0xFFFF  }
0x74: {  	[sflag:s0] =	ssyncadd.tile.s32 @!p0 $0x1;
	_ =	shalt  }
.Lfunc_end2:
_tile_overlayer_lowered:
.L_overlay_start_2:
0x75: {  	(tag) =	ssettag $0x2  }
0x76: {  	s0 =	rddreg [dreg:$0x0];
	s2 =	stileid.u32  }
0x77: {  	s1 =	rddreg [dreg:$0x1];
	p0 =	sne.s32 s2, $0x0  }
0x78: {  	s3 =	rddreg [dreg:$0x2];
	[bflag:$0x3] =	sbarrier.arrive $0xFFFF;
	s2 =	simm.s32 @!p0 $0x1C04  }
0x79: {  	[timem:s3], [sflag:s2] =	dma.local @!p0 [hbm:s0], s1  }
0x7a: {  	s0 =	simm.s32 @!p0 $0x4  }
0x7b: {  	_ =	swait.ge @!p0 [sflag:s0], s1  }
0x7c: {  	s1 =	ssub.s32 @!p0 $0x0, s1;
	[sflag:s0] =	ssyncset.done @!p0 $0x0  }
0x7d: {  	[sflag:s0] =	ssyncadd.s32 @!p0 s1  }
0x7e: {  	[bflag:$0x3] =	sbarrier.arrive $0xFFFF  }
0x7f: {  	_ =	shalt  }

// kernel: kernel.9.cloned.1.call-start
scs
__scs_entry_jumppad:
0x0: {  	(pc) =	sbr.rel $0x88, $3  }
0x1: {  	(tag) =	ssettag $0x0;
	lr =	simm.s32 $0x1  }
0x2: {  	[smem:$0x3F87] =	sst lr;
	_ =	strace $0xD0000000  }
0x3: {  	_ = 	snop  }
0x4: {  	_ = 	snop  }
0x5: {  	_ = 	snop  }
0x6: {  	_ = 	snop  }
0x7: {  	_ = 	snop  }
__scs_overlays_trampoline_lowered:
0x8: {  	[smem:$0x3F96] =	sst s0  }
0x9: {  	[smem:$0x3F97] =	sst s1  }
0xa: {  	[smem:$0x3F98] =	sst s2  }
0xb: {  	[smem:$0x3F99] =	sst s3  }
0xc: {  	[smem:$0x3F9A] =	sst s4  }
0xd: {  	[smem:$0x3F9B] =	sst s5  }
0xe: {  	[smem:$0x3F9C] =	sst s6  }
0xf: {  	[smem:$0x3F9D] =	sst s7  }
0x10: {  	[smem:$0x3F9E] =	sst s8  }
0x11: {  	[smem:$0x3F9F] =	sst s9;
	s0 =	simm.s32 @!p0 $0x0  }
0x12: {  	s1 =	sld [smem:$0x3F85];
	s0 =	simm.s32 @p0 $0x1  }
0x13: {  	[smem:$0x3FA0] =	sst s0;
	s0 =	simm.s32 @!p1 $0x0  }
0x14: {  	s2 =	sld [smem:$0x3F84];
	s0 =	simm.s32 @p1 $0x1  }
0x15: {  	[smem:$0x3FA1] =	sst s0;
	s0 =	simm.s32 @!p2 $0x0  }
0x16: {  	s3 =	sld [smem:$0x3FDB];
	s0 =	simm.s32 @p2 $0x1  }
0x17: {  	s4 =	simm.s32 $0x1BF5;
	[smem:$0x3FA3] =	sst s0  }
0x18: {  	s0 =	sld [smem:$0x3F86];
	_ =	swait.ge [sflag:s4], $0x0  }
0x19: {  	s7 =	sld [smem:$0x3F87]  }
0x1a: {  	s8 =	sadd.s32 $0xFFFFE003, lr  }
0x1b: {  	s9 =	sadd.s32 $0xFFFFFEF7, lr;
	s5 =	simm.s32 $0xFFFFFFFF;
	p2 =	slt.u32 s8, $0xFFFFF086  }
0x1c: {  	p1 =	slt.u32 s9, $0xF7A;
	s5 =	simm.s32 @!p2 $0x0  }
0x1d: {  	s5 =	simm.s32 @p1 $0x1;
	p0 =	seq.s32 s7, s2  }
0x1e: {  	s7 =	smul.u32 @!p0 $0xF7A, s2;
	p2 =	seq.s32 @!p0 s5, $0x0  }
0x1f: {  	s9 =	smul.u32 $0xF7A, s1;
	s8 =	simm.s32 @!p0 $0x1BF5;
	p2 =	por !p2, p0  }
0x20: {  	[sflag:s8] =	ssyncset.s32 @!p0 $0xFFFFF086;
	s6 =	sadd.s32 @!p0 s3, s7;
	s7 =	simm.s32 @!p0 $0x108  }
0x21: {  	s3 =	sadd.s32 s3, s9;
	s6 =	sadd.s32 @!p0 $0x88, s6;
	s7 =	simm.s32 @p2 $0x1082  }
0x22: {  	[simem:s7], [sflag:s8] =	dma.local @!p0 [hbm:s6], $0xF7A  }
0x23: {  	s9 =	sor.u32 $0xD0000000, s2;
	s6 =	simm.s32 $0x108;
	_ =	swait.ge @!p0 [sflag:s8], $0x0  }
0x24: {  	s3 =	sadd.s32 $0x88, s3;
	s6 =	simm.s32 @!p1 $0x1082;
	[sflag:s4] =	ssyncset.s32 $0xFFFFF086  }
0x25: {  	[simem:s6], [sflag:s4] =	dma.local [hbm:s3], $0xF7A  }
0x26: {  	[smem:$0x3F87] =	sst s1;
	(tag) =	ssettag s2;
	_ =	strace s9  }
0x27: {  	s1 =	sld [smem:$0x3F97]  }
0x28: {  	s2 =	sld [smem:$0x3F98]  }
0x29: {  	s4 =	sld [smem:$0x3F9A]  }
0x2a: {  	p0 =	seq.s32 s5, $0x0;
	s5 =	sld [smem:$0x3F9B]  }
0x2b: {  	s6 =	sld [smem:$0x3F9C]  }
0x2c: {  	s7 =	sld [smem:$0x3F9D]  }
0x2d: {  	s3 =	simm.s32 $0x108;
	s8 =	sld [smem:$0x3F9E]  }
0x2e: {  	s3 =	simm.s32 @!p0 $0x1082;
	s9 =	sld [smem:$0x3F9F]  }
0x2f: {  	lr =	sadd.s32 s0, s3;
	s0 =	sld [smem:$0x3F96]  }
0x30: {  	s3 =	sld [smem:$0x3F99]  }
0x31: {  	[smem:$0x3FA2] =	sst s10  }
0x32: {  	s10 =	sld [smem:$0x3FA0];
	_ =	sdelay $0x3  }
0x33: {  	p0 =	seq.s32 s10, $0x1;
	s10 =	sld [smem:$0x3FA2];
	_ =	sdelay $0x3  }
0x34: {  	[smem:$0x3FA2] =	sst s10  }
0x35: {  	s10 =	sld [smem:$0x3FA1];
	_ =	sdelay $0x3  }
0x36: {  	p1 =	seq.s32 s10, $0x1;
	s10 =	sld [smem:$0x3FA2];
	_ =	sdelay $0x3  }
0x37: {  	[smem:$0x3FA2] =	sst s10  }
0x38: {  	s10 =	sld [smem:$0x3FA3]  }
0x39: {  	_ = 	snop;
	(pc) =	sbr.ind lr, $3  }
0x3a: {  	_ = 	snop  }
0x3b: {  	_ = 	snop  }
0x3c: {  	p2 =	seq.s32 s10, $0x1;
	s10 =	sld [smem:$0x3FA2]  }
0x3d: {  	_ =	shalt  }
0x3e: {  	_ =	shalt  }
0x3f: {  	_ =	shalt  }
0x40: {  	_ =	shalt  }
0x41: {  	_ =	shalt  }
0x42: {  	_ =	shalt  }
0x43: {  	_ =	shalt  }
0x44: {  	_ =	shalt  }
0x45: {  	_ =	shalt  }
0x46: {  	_ =	shalt  }
0x47: {  	_ =	shalt  }
0x48: {  	_ =	shalt  }
0x49: {  	_ =	shalt  }
0x4a: {  	_ =	shalt  }
0x4b: {  	_ =	shalt  }
0x4c: {  	_ =	shalt  }
0x4d: {  	_ =	shalt  }
0x4e: {  	_ =	shalt  }
0x4f: {  	_ =	shalt  }
0x50: {  	_ =	shalt  }
0x51: {  	_ =	shalt  }
0x52: {  	_ =	shalt  }
0x53: {  	_ =	shalt  }
0x54: {  	_ =	shalt  }
0x55: {  	_ =	shalt  }
0x56: {  	_ =	shalt  }
0x57: {  	_ =	shalt  }
0x58: {  	_ =	shalt  }
0x59: {  	_ =	shalt  }
0x5a: {  	_ =	shalt  }
0x5b: {  	_ =	shalt  }
0x5c: {  	_ =	shalt  }
0x5d: {  	_ =	shalt  }
0x5e: {  	_ =	shalt  }
0x5f: {  	_ =	shalt  }
0x60: {  	_ =	shalt  }
0x61: {  	_ =	shalt  }
0x62: {  	_ =	shalt  }
0x63: {  	_ =	shalt  }
0x64: {  	_ =	shalt  }
0x65: {  	_ =	shalt  }
0x66: {  	_ =	shalt  }
0x67: {  	_ =	shalt  }
0x68: {  	_ =	shalt  }
0x69: {  	_ =	shalt  }
0x6a: {  	_ =	shalt  }
0x6b: {  	_ =	shalt  }
0x6c: {  	_ =	shalt  }
0x6d: {  	_ =	shalt  }
0x6e: {  	_ =	shalt  }
0x6f: {  	_ =	shalt  }
0x70: {  	_ =	shalt  }
0x71: {  	_ =	shalt  }
0x72: {  	_ =	shalt  }
0x73: {  	_ =	shalt  }
0x74: {  	_ =	shalt  }
0x75: {  	_ =	shalt  }
0x76: {  	_ =	shalt  }
0x77: {  	_ =	shalt  }
0x78: {  	_ =	shalt  }
0x79: {  	_ =	shalt  }
0x7a: {  	_ =	shalt  }
0x7b: {  	_ =	shalt  }
0x7c: {  	_ =	shalt  }
0x7d: {  	_ =	shalt  }
0x7e: {  	_ =	shalt  }
0x7f: {  	_ =	shalt  }
0x80: {  	_ =	shalt  }
0x81: {  	_ =	shalt  }
0x82: {  	_ =	shalt  }
0x83: {  	_ =	shalt  }
0x84: {  	_ =	shalt  }
0x85: {  	_ =	shalt  }
0x86: {  	_ =	shalt  }
0x87: {  	_ =	shalt  }
.Lfunc_end0:
.L_simem_size_0:
called_computation_lowered:
.L_overlay_start_0:
0x88: {  	s2 =	sld [smem:$0x3FD9]  }
0x89: {  	s3 =	sld [smem:$0x3FFE];
	_ =	sdelay $0x1  }
0x8a: {  	s1 =	srdreg.scid  }
0x8b: {  	s0 =	sand.u32 $0x1, s1  }
0x8c: {  	s16 =	sshll.u32 s0, $0xA;
	s2 =	sadd.s32 s3, s2  }
0x8d: {  	s2 =	sadd.s32 s2, s16  }
0x8e: {  	[smem:$0x3FAE] =	sst s2  }
0x8f: {  	_ = 	snop  }
0x90: {  	(tm) =	ssettm $0x1  }
0x91: {  	s17 =	sld [smem:$0x3FFB];
	_ =	sdelay $0x3  }
0x92: {  	_ =	strace s17  }
0x93: {  	s2 =	sld [smem:$0x3FFC];
	_ =	sdelay $0x3  }
0x94: {  	_ =	strace s2  }
0x95: {  	s2 =	sld [smem:$0x3FFD];
	_ =	sdelay $0x3  }
0x96: {  	_ =	strace s2  }
0x97: {  	_ =	strace $0x8FFFFFFF  }
0x98: {  	s18 =	sld [smem:$0x3FDB];
	_ =	sdelay $0x1  }
0x99: {  	s19 =	simm.s32 $_scs_section_size  }
0x9a: {  	s4 =	simm.s32 $_size__tile_overlayer_lowered;
	s5 =	simm.s32 $_tile_overlayer_lowered  }
0x9b: {  	s22 =	simm.s32 $0x1BFF;
	s21 =	sshll.u32 s5, $0x1;
	s2 =	sadd.s32 s19, s18  }
0x9c: {  	s6 =	simm.s32 $0x0;
	s20 =	sshll.u32 s4, $0x1;
	s4 =	sadd.s32 s21, s2  }
0x9d: {  	[timem:s6], [sflag:s22] =	dma.local [hbm:s4], s20  }
0x9e: {  	_ =	swait.ge [sflag:s22], s20  }
0x9f: {  	s3 =	ssub.s32 $0x0, s20;
	[sflag:s22] =	ssyncset.done $0x0  }
0xa0: {  	[sflag:s22] =	ssyncadd.s32 s3;
	_ =	sdelay $0x1  }
0xa1: {  	s23 =	simm.s32 $0x1B8B  }
0xa2: {  	_ =	swait.ge [sflag:s23], $0x1  }
0xa3: {  	[sflag:s23] =	ssyncset.done $0x0  }
0xa4: {  	s25 =	simm.s32 $0x1B8E;
	s24 =	sld [smem:$0x3FFE];
	[sflag:s23] =	ssyncadd.s32 $0xFFFFFFFF  }
0xa5: {  	s26 =	simm.s32 $execute0_lowered;
	[smem:$0x3FD2] =	sst s25  }
0xa6: {  	s4 =	sshll.u32 s26, $0x1;
	_ =	strace $0x80000046;
	[dreg:$0x1] =	wrdreg $0xFFFFFFFF  }
0xa7: {  	s28 =	simm.s32 $_size_execute0_lowered;
	s2 =	sadd.s32 s2, s4;
	[dreg:$0x0] =	wrdreg $0x0  }
0xa8: {  	s4 =	sshll.u32 s28, $0x1;
	[dreg:$0x2] =	wrdreg s2  }
0xa9: {  	[dreg:$0x3] =	wrdreg s4  }
0xaa: {  	[dreg:$0x4] =	wrdreg $0xC0  }
0xab: {  	_ =	task [dreg:s6], $0x5FFFF  }
0xac: {  	[dreg:$0x1] =	wrdreg $0xFFFFFFFF  }
0xad: {  	[dreg:$0x0] =	wrdreg $0x60  }
0xae: {  	[dreg:$0x2] =	wrdreg s24  }
0xaf: {  	[dreg:$0x3] =	wrdreg $0x1E800  }
0xb0: {  	[dreg:$0x4] =	wrdreg $0x9  }
0xb1: {  	_ =	task.clear_ibuf [dreg:s6], $0x5FFFF;
	_ =	strace $0x90000046  }
0xb2: {  	s29 =	simm.s32 $0x9;
	_ =	strace $0x80000048  }
0xb3: {  	_ =	swait.ge [sflag:s29], $0x1  }
0xb4: {  	[sflag:s29] =	ssyncadd.s32 $0xFFFFFFFF  }
0xb5: {  	_ =	strace $0x90000048  }
0xb6: {  	_ =	sfence  }
0xb7: {  	s30 =	sld [smem:$0x0];
	_ =	sdelay $0x2  }
0xb8: {  	s31 =	sshll.u32 s1, $0xD;
	s1 =	sshrl.u32 s1, $0x2  }
0xb9: {  	s3 =	sand.u32 $0x4000, s31;
	s1 =	sadd.s32 s1, s30  }
0xba: {  	s0 =	sor.u32 s3, s0;
	s1 =	sshll.u32 s1, $0x11  }
0xbb: {  	s0 =	sor.u32 s1, s0  }
0xbc: {  	s0 =	sadd.s32 $0x8F2B, s0  }
0xbd: {  	[sflag:s0] =	ssyncadd.remote.s32 $0x1  }
0xbe: {  	_ =	sfence.sel $0xFFFF  }
0xbf: {  	[dreg:$0x0] =	wrdreg $0xFFFFFFFF;
	(pc) =	sbr.abs _section_cstart, $3  }
0xc0: {  	[dreg:$0x1] =	wrdreg $0xFFFFFFFF  }
0xc1: {  	_ =	task.clear_ibuf [dreg:s6], $0x2FFFF;
	_ =	strace $0x9FFFFFFF  }
0xc2: {  	(tm) =	ssettm $0x7FFFFFFF  }
0xc3: {  	_ =	shalt  }
tec
execute0_lowered:
.L_overlay_start_1:
0x0: {  	(tag) =	ssettag $0x1  }
0x1: {  	s6 =	rddreg [dreg:$0x0]  }
0x2: {  	s0 =	srdreg.scid;
	s2 =	rddreg [dreg:$0x1];
	s3 =	simm.s32 $0x0  }
0x3: {  	s12 =	simm.s32 $0x1680;
	s5 =	sand.u32 $0x1, s0;
	s0 =	stileid.u32  }
0x4: {  	s13 =	simm.s32 $0x80;
	s14 =	simm.s32 $0x0;
	s7 =	smul.u32 $0x1680, s0  }
0x5: {  	[smem:$0x7FF] =	sst s3;
	s1 =	sshll.u32 s5, $0x4;
	s8 =	smul.u32 $0x16800, s5  }
0x6: {  	s10 =	ssub.s32 $0x2, s5;
	s5 =	sadd.s32 $0x8600, s6;
	s1 =	sor.u32 s0, s1  }
0x7: {  	s31 =	sshll.u32 s0, $0x6;
	s30 =	sshrl.u32 s10, $0x1;
	s4 =	smul.u32 $0x2D0, s1  }
0x8: {  	s1 =	rddreg [dreg:$0x2];
	_ =	strace $0x80000047;
	s8 =	sadd.s32 s7, s8  }
0x9: {  	s10 =	ssub.s32 s10, s30;
	s11 =	sadd.s32 s7, s2;
	s8 =	sshrl.u32 s8, $0x3  }
0xa: {  	s9 =	sadd.s32 s4, s6;
	s4 =	sadd.s32 $0x8400, s6;
	s8 =	sadd.s32 s8, s6  }
0xb: {  	s6 =	sor.u32 $0x1C01, s31;
	s7 =	sadd.s32 $0x2A00, s9;
	s8 =	sadd.s32 $0x8C00, s8  }
0xc: {  	s9 =	smax.u32 s10, $0x1;
	s10 =	sshrl.u32 s11, $0x3;
	s11 =	simm.s32 $0x1  }
.LBB2_1:
0xd: {  	[spmem:s10], [sflag:s6] =	dma.local [hbm:s5], $0x2D0  }
0xe: {  	_ =	swait.ge [sflag:s11], $0x2D0  }
0xf: {  	[sflag:s11] =	ssyncset.done $0x0  }
0x10: {  	[sflag:s11] =	ssyncadd.s32 $0xFFFFFD30  }
0x11: {  	[tilespmem:s12], [sflag:$0x1] =	stream.linear.gather [hbm4b:s4+s3], $0x800, $0x38;
	[tilespmem:$0x3500] =	vst v63  }
0x12: {  	_ =	swait.ge [sflag:s11], $0x800  }
0x13: {  	[sflag:s11] =	ssyncset.done $0x0  }
0x14: {  	[sflag:s11] =	ssyncadd.s32 $0xFFFFF800  }
0x15: {  	[tilespmem:s3], [sflag:$0x1] =	stream.linear.gather [hbm4b:s7+s3], $0x1680, $0x38;
	[tilespmem:$0x3500] =	vst v63  }
0x16: {  	_ =	swait.ge [sflag:s11], $0x1680  }
0x17: {  	[sflag:s11] =	ssyncset.done $0x0  }
0x18: {  	[sflag:s11] =	ssyncadd.s32 $0xFFFFE980  }
0x19: {  	s15 =	simm.s32 $0x0;
	[bflag:$0x0] =	sbarrier.arrive $0xFFFF  }
0x1a: {  	[spmem:s2] =	stream.indirect.scatter.add.f32 [tilespmem:s12], [sflag:$0x1], $0x10, s15, s13, $0xb8;
	[tilespmem:$0x3500] =	vst v63  }
0x1b: {  	_ =	swait.ge [sflag:s11], $0x800  }
0x1c: {  	s15 =	simm.s32 $0x200;
	[sflag:s11] =	ssyncset.done $0x0  }
.LBB2_2:
0x1d: {  	s16 =	sshra.s32 s15, $0x2;
	[sflag:s11] =	ssyncadd.s32 $0xFFFFF800;
	p0 =	sne.s32 s15, $0x5800  }
0x1e: {  	[spmem:s2] =	stream.indirect.scatter.add.f32 [tilespmem:s12], [sflag:$0x1], $0x10, s16, s13, $0xb8;
	[tilespmem:$0x3500] =	vst v63  }
.Ltmp0:
0x1f: {  	_ = 	snop;
	(pc) =	sbr.rel @p0 .LBB2_2-.Ltmp0, $4  }
0x20: {  	_ = 	snop  }
0x21: {  	s15 =	sadd.s32 $0x200, s15  }
0x22: {  	_ =	swait.ge [sflag:s11], $0x800  }
0x23: {  	[sflag:s11] =	ssyncset.done $0x0  }
0x24: {  	s14 =	sadd.s32 $0x1, s14  }
0x25: {  	[sflag:s11] =	ssyncadd.s32 $0xFFFFF800;
	p0 =	sne.s32 s14, s9  }
.Ltmp1:
0x26: {  	[bflag:$0x0] =	sbarrier.arrive $0xFFFF;
	(pc) =	sbr.rel @p0 .LBB2_1-.Ltmp1, $4  }
0x27: {  	[hbm:s8], [sflag:s6] =	dma.local [spmem:s10], $0x2D0  }
0x28: {  	_ =	swait.ge [sflag:s11], $0x2D0  }
0x29: {  	[sflag:s11] =	ssyncset.done $0x0  }
0x2a: {  	[sflag:s11] =	ssyncadd.s32 $0xFFFFFD30  }
0x2b: {  	_ =	sfence.sel $0x180000  }
0x2c: {  	[bflag:$0x0] =	sbarrier.arrive $0xFFFF  }
0x2d: {  	p0 =	sne.s32 s0, $0x0;
	_ =	strace $0x90000047  }
0x2e: {  	s0 =	sadd.s32 @!p0 $0x100000, s1;
	[bflag:$0x2] =	sbarrier.arrive $0xFFFF  }
0x2f: {  	[sflag:s0] =	ssyncadd.tile.s32 @!p0 $0x1;
	_ =	shalt  }
.Lfunc_end2:
_tile_overlayer_lowered:
.L_overlay_start_2:
0x30: {  	(tag) =	ssettag $0x2  }
0x31: {  	s0 =	rddreg [dreg:$0x0];
	s2 =	stileid.u32  }
0x32: {  	s1 =	rddreg [dreg:$0x1];
	p0 =	sne.s32 s2, $0x0  }
0x33: {  	s3 =	rddreg [dreg:$0x2];
	[bflag:$0x3] =	sbarrier.arrive $0xFFFF;
	s2 =	simm.s32 @!p0 $0x1C01  }
0x34: {  	[timem:s3], [sflag:s2] =	dma.local @!p0 [hbm:s0], s1  }
0x35: {  	s0 =	simm.s32 @!p0 $0x1  }
0x36: {  	_ =	swait.ge @!p0 [sflag:s0], s1  }
0x37: {  	s1 =	ssub.s32 @!p0 $0x0, s1;
	[sflag:s0] =	ssyncset.done @!p0 $0x0  }
0x38: {  	[sflag:s0] =	ssyncadd.s32 @!p0 s1  }
0x39: {  	[bflag:$0x3] =	sbarrier.arrive $0xFFFF  }
0x3a: {  	_ =	shalt  }

</sc_bundles>
